<compile_context>
chip_gen: v7x
topology: tpu7x:2x2x1
jax: 0.10.2.dev20260603
libtpu: 0.0.44.dev20260713+nightly
codegen_flags: <defaults>
</compile_context>

<pallas_src>
import functools

import jax
import jax.numpy as jnp
from jax import lax
from jax.experimental import pallas as pl
from jax.experimental.pallas import tpu as pltpu
from jax.experimental.pallas import tpu_sc as plsc

VOCAB = 30522
DIM = 768
BATCH = 4096
SEQ = 50
SEQST = 56
SEQP = 64
L = 16
NWORKERS = 32
B_PER_W = BATCH // NWORKERS
NDCHUNK = DIM // L


def _sc_body(ids_hbm, emb_hbm, w_hbm, out_hbm,
             idx_all, rows0, rows1, lbuf, outbuf,
             gsem0, gsem1, lsem0, lsem1, osem0, osem1):
    cid = lax.axis_index("c")
    sid = lax.axis_index("s")
    wid = sid * 2 + cid
    base = wid * B_PER_W

    pltpu.sync_copy(ids_hbm.at[pl.ds(base * SEQST, B_PER_W * SEQST)], idx_all)

    gsems = (gsem0, gsem1)
    lsems = (lsem0, lsem1)
    osems = (osem0, osem1)

    def gather_src(q):
        return emb_hbm.at[idx_all.at[pl.ds(q * SEQST, SEQ)]]

    def logit_src(q):
        return w_hbm.at[idx_all.at[pl.ds(q * SEQST, SEQST)]]

    rowbufs = (rows0, rows1)

    def start_gather(q, b):
        pltpu.async_copy(gather_src(q), rowbufs[b], gsems[b])
        pltpu.async_copy(logit_src(q), lbuf.at[b, pl.ds(0, SEQST)], lsems[b])

    def wait_gather(q, b):
        pltpu.make_async_copy(logit_src(q), lbuf.at[b, pl.ds(0, SEQST)],
                              lsems[b]).wait()
        pltpu.make_async_copy(gather_src(q), rowbufs[b], gsems[b]).wait()

    lane = lax.broadcasted_iota(jnp.int32, (L,), 0)

    def compute(q, b):
        lv = [lbuf[b, pl.ds(c * L, L)] for c in range(SEQP // L)]
        lv[3] = jnp.where(lane < SEQ - 3 * L, lv[3], -1e30)
        m = jnp.max(jnp.maximum(jnp.maximum(lv[0], lv[1]),
                                jnp.maximum(lv[2], lv[3])))
        ev = [jnp.exp(x - m) for x in lv]
        ev[3] = jnp.where(lane < SEQ - 3 * L, ev[3], 0.0)
        tot = jnp.sum(ev[0] + ev[1] + ev[2] + ev[3])
        inv_v = jnp.ones((L,), jnp.float32) / jnp.broadcast_to(tot, (L,))
        wvecs = [e * inv_v for e in ev]
        ws = [wvecs[s // L][s % L] for s in range(SEQ)]

        def dbody(j, carry):
            off = j * L
            acc = jnp.zeros((L,), jnp.float32)
            for s in range(SEQ):
                acc = acc + ws[s] * rowbufs[b][s, pl.ds(off, L)]
            outbuf[b, pl.ds(off, L)] = acc
            return carry
        lax.fori_loop(0, NDCHUNK, dbody, 0, unroll=False)

        pltpu.async_copy(outbuf.at[b], out_hbm.at[base + q], osems[b])

    def wait_out(q, b):
        pltpu.make_async_copy(outbuf.at[b], out_hbm.at[base + q], osems[b]).wait()

    start_gather(0, 0)

    def qbody(g, carry):
        q0 = 2 * g
        q1 = q0 + 1
        start_gather(q1, 1)
        wait_gather(q0, 0)

        @pl.when(g > 0)
        def _():
            wait_out(q0 - 2, 0)
        compute(q0, 0)

        @pl.when(q1 + 1 < B_PER_W)
        def _():
            start_gather(q1 + 1, 0)
        wait_gather(q1, 1)

        @pl.when(g > 0)
        def _():
            wait_out(q1 - 2, 1)
        compute(q1, 1)
        return carry

    lax.fori_loop(0, B_PER_W // 2, qbody, 0, unroll=False)

    wait_out(B_PER_W - 2, 0)
    wait_out(B_PER_W - 1, 1)


def _build_sc_kernel():
    mesh = plsc.VectorSubcoreMesh(core_axis_name="c", subcore_axis_name="s")
    return pl.kernel(
        _sc_body,
        out_type=jax.ShapeDtypeStruct((BATCH, DIM), jnp.float32),
        mesh=mesh,
        scratch_types=[
            pltpu.VMEM((B_PER_W * SEQST,), jnp.int32),
            pltpu.VMEM((SEQ, DIM), jnp.float32),
            pltpu.VMEM((SEQ, DIM), jnp.float32),
            pltpu.VMEM((2, SEQP), jnp.float32),
            pltpu.VMEM((2, DIM), jnp.float32),
            pltpu.SemaphoreType.DMA,
            pltpu.SemaphoreType.DMA,
            pltpu.SemaphoreType.DMA,
            pltpu.SemaphoreType.DMA,
            pltpu.SemaphoreType.DMA,
            pltpu.SemaphoreType.DMA,
        ],
        compiler_params=pltpu.CompilerParams(
            needs_layout_passes=False, use_tc_tiling_on_sc=False),
    )


def kernel(input_ids, attention_mask, tok_embs, tok_embs_avg_weights):
    del attention_mask
    ids = jnp.pad(input_ids.astype(jnp.int32), ((0, 0), (0, SEQST - SEQ)))
    sc = _build_sc_kernel()
    return sc(ids.reshape(-1), tok_embs, tok_embs_avg_weights)

# --- scband reference (transcript-rebuilt; emitter-appended) ---
"""Pipeline reference for scband-avg-emb-query-estimator-84533546319993 (READ-ONLY COPY).

The authoritative reference and input builder live on the scoring server;
editing this copy changes nothing except your own understanding.
"""

import jax, jax.numpy as jnp
import numpy as np

VOCAB = 30522
DIM = 768
BATCH = 4096
SEQ = 50

def setup_inputs(seed: int = 0) -> dict:
    key = jax.random.key(seed)
    k1, k2, k3 = jax.random.split(key, 3)
    input_ids = jax.random.randint(k1, (BATCH, SEQ), 0, VOCAB, dtype=jnp.int64 if jax.config.jax_enable_x64 else jnp.int32)
    attention_mask = jnp.ones((BATCH, SEQ), dtype=input_ids.dtype)
    tok_embs = jax.random.normal(k2, (VOCAB, DIM), dtype=jnp.float32) * 0.02
    tok_embs_avg_weights = jnp.ones((VOCAB,), dtype=jnp.float32)
    return {"input_ids": input_ids, "attention_mask": attention_mask, "tok_embs": tok_embs, "tok_embs_avg_weights": tok_embs_avg_weights}

def reference(input_ids, attention_mask, tok_embs, tok_embs_avg_weights):
    # q_only=True, tok_w_method=LEARNED path of AvgEmbQueryEstimator.forward
    q_tok_embs = jnp.take(tok_embs, input_ids, axis=0)                 # [B, S, D] gather
    q_tok_logits = jnp.take(tok_embs_avg_weights, input_ids, axis=0)   # [B, S] gather
    q_tok_weights = jax.nn.softmax(q_tok_logits, axis=-1)
    q_emb_1 = jnp.sum(q_tok_embs * q_tok_weights[..., None], axis=1)   # [B, D]
    return q_emb_1

if __name__ == "__main__":
    import jax
    _d = setup_inputs()
    print(jax.jit(kernel)(*tuple(_d.values())))

</pallas_src>

<mosaic_0001>
#map = affine_map<(d0, d1) -> (0)>
#map1 = affine_map<(d0, d1) -> (0, 0)>
module attributes {stable_mosaic.version = 14 : i64} {
  func.func @_sc_body(%arg0: i32, %arg1: i32, %arg2: memref<229376xi32, #tpu.memory_space<hbm>>, %arg3: memref<30522x768xf32, #tpu.memory_space<hbm>>, %arg4: memref<30522xf32, #tpu.memory_space<hbm>>, %arg5: memref<4096x768xf32, #tpu.memory_space<hbm>>, %arg6: memref<7168xi32, #tpu.memory_space<vmem>>, %arg7: memref<50x768xf32, #tpu.memory_space<vmem>>, %arg8: memref<50x768xf32, #tpu.memory_space<vmem>>, %arg9: memref<2x64xf32, #tpu.memory_space<vmem>>, %arg10: memref<2x768xf32, #tpu.memory_space<vmem>>, %arg11: memref<!tpu.dma_semaphore, #tpu.memory_space<semaphore_mem>>, %arg12: memref<!tpu.dma_semaphore, #tpu.memory_space<semaphore_mem>>, %arg13: memref<!tpu.dma_semaphore, #tpu.memory_space<semaphore_mem>>, %arg14: memref<!tpu.dma_semaphore, #tpu.memory_space<semaphore_mem>>, %arg15: memref<!tpu.dma_semaphore, #tpu.memory_space<semaphore_mem>>, %arg16: memref<!tpu.dma_semaphore, #tpu.memory_space<semaphore_mem>>) attributes {dimension_semantics = [#tpu.dimension_semantics<core_parallel>, #tpu.dimension_semantics<subcore_parallel>], iteration_bounds = array<i64: 2, 16>, scalar_prefetch = 0 : i64, scratch_operands = 11 : i64, tpu.core_type = #tpu.core_type<sc_vector_subcore>, window_params = [{transform_indices = #map}, {transform_indices = #map1}, {transform_indices = #map}, {transform_indices = #map1}]} {
    %mul3A = arith.constant 2 : i32
    %mul3A_0 = arith.muli %arg1, %mul3A : i32
    %add3A = arith.addi %mul3A_0, %arg0 : i32
    %mul3A_1 = arith.constant 128 : i32
    %mul3A_2 = arith.muli %add3A, %mul3A_1 : i32
    %mul3A_3 = arith.constant 56 : i32
    %mul3A_4 = arith.muli %mul3A_2, %mul3A_3 : i32
    "tpu.region"() ({
      %run_scoped3A = tpu.sem_alloc : memref<!tpu.dma_semaphore, #tpu.memory_space<semaphore_mem>>
      %dma_start3A_51 = tpu.memref_slice %arg2[%mul3A_4] : memref<229376xi32, #tpu.memory_space<hbm>> -> memref<7168xi32, #tpu.memory_space<hbm>>
      %dma_start3A_52 = tpu.memref_slice %arg2[%mul3A_4] : memref<229376xi32, #tpu.memory_space<hbm>> -> memref<7168xi32, #tpu.memory_space<hbm>>
      tpu.enqueue_dma source(%dma_start3A_52 : memref<7168xi32, #tpu.memory_space<hbm>>) target(%arg6 : memref<7168xi32, #tpu.memory_space<vmem>>) target_semaphore(%run_scoped3A : memref<!tpu.dma_semaphore, #tpu.memory_space<semaphore_mem>>)
      %dma_wait3A_53 = tpu.memref_slice %arg2[%mul3A_4] : memref<229376xi32, #tpu.memory_space<hbm>> -> memref<7168xi32, #tpu.memory_space<hbm>>
      %dma_wait3A_54 = tpu.memref_slice %arg2[%mul3A_4] : memref<229376xi32, #tpu.memory_space<hbm>> -> memref<7168xi32, #tpu.memory_space<hbm>>
      tpu.wait_dma2 semaphore(%run_scoped3A : memref<!tpu.dma_semaphore, #tpu.memory_space<semaphore_mem>>) src(%dma_wait3A_54 : memref<7168xi32, #tpu.memory_space<hbm>>) dst(%arg6 : memref<7168xi32, #tpu.memory_space<vmem>>)
      tpu.yield
    }) : () -> ()
    %iota3A = tpu.iota {dimensions = array<i32: 0>} : vector<16xi32>
    %dma_start3A = arith.constant 0 : i32
    %dma_start3A_5 = tpu.memref_slice %arg6[%dma_start3A] : memref<7168xi32, #tpu.memory_space<vmem>> -> memref<50xi32, #tpu.memory_space<vmem>>
    %dma_start3A_6 = arith.constant 0 : i32
    %dma_start3A_7 = arith.constant 0 : i32
    %dma_start3A_8 = tpu.memref_slice %arg3[%dma_start3A_6, %dma_start3A_7] : memref<30522x768xf32, #tpu.memory_space<hbm>> -> memref<30522x768xf32, #tpu.memory_space<hbm>>
    tpu.enqueue_indirect_dma source(%dma_start3A_8 : memref<30522x768xf32, #tpu.memory_space<hbm>>) target(%arg7 : memref<50x768xf32, #tpu.memory_space<vmem>>) offsets(%dma_start3A_5 : memref<50xi32, #tpu.memory_space<vmem>>) semaphore(%arg11 : memref<!tpu.dma_semaphore, #tpu.memory_space<semaphore_mem>>)
    %dma_start3A_9 = arith.constant 0 : i32
    %dma_start3A_10 = arith.constant 0 : i32
    %dma_start3A_11 = tpu.memref_slice %arg9[%dma_start3A_9, %dma_start3A_10] : memref<2x64xf32, #tpu.memory_space<vmem>> -> memref<1x56xf32, #tpu.memory_space<vmem>>
    %dma_start3A_12 = tpu.memref_squeeze %dma_start3A_11 : memref<1x56xf32, #tpu.memory_space<vmem>> -> memref<56xf32, #tpu.memory_space<vmem>>
    %dma_start3A_13 = arith.constant 0 : i32
    %dma_start3A_14 = tpu.memref_slice %arg6[%dma_start3A_13] : memref<7168xi32, #tpu.memory_space<vmem>> -> memref<56xi32, #tpu.memory_space<vmem>>
    %dma_start3A_15 = arith.constant 0 : i32
    %dma_start3A_16 = tpu.memref_slice %arg4[%dma_start3A_15] : memref<30522xf32, #tpu.memory_space<hbm>> -> memref<30522xf32, #tpu.memory_space<hbm>>
    tpu.enqueue_indirect_dma source(%dma_start3A_16 : memref<30522xf32, #tpu.memory_space<hbm>>) target(%dma_start3A_12 : memref<56xf32, #tpu.memory_space<vmem>>) offsets(%dma_start3A_14 : memref<56xi32, #tpu.memory_space<vmem>>) semaphore(%arg13 : memref<!tpu.dma_semaphore, #tpu.memory_space<semaphore_mem>>)
    %scan3A = arith.constant 0 : i32
    %scan3A_17 = arith.constant 0 : i32
    %scan3A_18 = arith.constant 64 : i32
    %scan3A_19 = arith.addi %scan3A_17, %scan3A_18 : i32
    %scan3A_20 = arith.constant 1 : i32
    scf.for %scan3A_51 = %scan3A_17 to %scan3A_19 step %scan3A_20  : i32 {
      %mul3A_52 = arith.constant 2 : i32
      %mul3A_53 = arith.muli %mul3A_52, %scan3A_51 : i32
      %add3A_54 = arith.constant 1 : i32
      %add3A_55 = arith.addi %mul3A_53, %add3A_54 : i32
      %mul3A_56 = arith.constant 56 : i32
      %mul3A_57 = arith.muli %add3A_55, %mul3A_56 : i32
      %dma_start3A_58 = tpu.memref_slice %arg6[%mul3A_57] : memref<7168xi32, #tpu.memory_space<vmem>> -> memref<50xi32, #tpu.memory_space<vmem>>
      %dma_start3A_59 = arith.constant 0 : i32
      %dma_start3A_60 = arith.constant 0 : i32
      %dma_start3A_61 = tpu.memref_slice %arg3[%dma_start3A_59, %dma_start3A_60] : memref<30522x768xf32, #tpu.memory_space<hbm>> -> memref<30522x768xf32, #tpu.memory_space<hbm>>
      tpu.enqueue_indirect_dma source(%dma_start3A_61 : memref<30522x768xf32, #tpu.memory_space<hbm>>) target(%arg8 : memref<50x768xf32, #tpu.memory_space<vmem>>) offsets(%dma_start3A_58 : memref<50xi32, #tpu.memory_space<vmem>>) semaphore(%arg12 : memref<!tpu.dma_semaphore, #tpu.memory_space<semaphore_mem>>)
      %mul3A_62 = arith.constant 56 : i32
      %mul3A_63 = arith.muli %add3A_55, %mul3A_62 : i32
      %dma_start3A_64 = arith.constant 1 : i32
      %dma_start3A_65 = arith.constant 0 : i32
      %dma_start3A_66 = tpu.memref_slice %arg9[%dma_start3A_64, %dma_start3A_65] : memref<2x64xf32, #tpu.memory_space<vmem>> -> memref<1x56xf32, #tpu.memory_space<vmem>>
      %dma_start3A_67 = tpu.memref_squeeze %dma_start3A_66 : memref<1x56xf32, #tpu.memory_space<vmem>> -> memref<56xf32, #tpu.memory_space<vmem>>
      %dma_start3A_68 = tpu.memref_slice %arg6[%mul3A_63] : memref<7168xi32, #tpu.memory_space<vmem>> -> memref<56xi32, #tpu.memory_space<vmem>>
      %dma_start3A_69 = arith.constant 0 : i32
      %dma_start3A_70 = tpu.memref_slice %arg4[%dma_start3A_69] : memref<30522xf32, #tpu.memory_space<hbm>> -> memref<30522xf32, #tpu.memory_space<hbm>>
      tpu.enqueue_indirect_dma source(%dma_start3A_70 : memref<30522xf32, #tpu.memory_space<hbm>>) target(%dma_start3A_67 : memref<56xf32, #tpu.memory_space<vmem>>) offsets(%dma_start3A_68 : memref<56xi32, #tpu.memory_space<vmem>>) semaphore(%arg14 : memref<!tpu.dma_semaphore, #tpu.memory_space<semaphore_mem>>)
      %mul3A_71 = arith.constant 56 : i32
      %mul3A_72 = arith.muli %mul3A_53, %mul3A_71 : i32
      %dma_wait3A_73 = arith.constant 0 : i32
      %dma_wait3A_74 = arith.constant 0 : i32
      %dma_wait3A_75 = tpu.memref_slice %arg9[%dma_wait3A_73, %dma_wait3A_74] : memref<2x64xf32, #tpu.memory_space<vmem>> -> memref<1x56xf32, #tpu.memory_space<vmem>>
      %dma_wait3A_76 = tpu.memref_squeeze %dma_wait3A_75 : memref<1x56xf32, #tpu.memory_space<vmem>> -> memref<56xf32, #tpu.memory_space<vmem>>
      %dma_wait3A_77 = tpu.memref_slice %arg6[%mul3A_72] : memref<7168xi32, #tpu.memory_space<vmem>> -> memref<56xi32, #tpu.memory_space<vmem>>
      %dma_wait3A_78 = arith.constant 0 : i32
      %dma_wait3A_79 = tpu.memref_slice %arg4[%dma_wait3A_78] : memref<30522xf32, #tpu.memory_space<hbm>> -> memref<30522xf32, #tpu.memory_space<hbm>>
      tpu.wait_indirect_dma semaphore(%arg13 : memref<!tpu.dma_semaphore, #tpu.memory_space<semaphore_mem>>) src(%dma_wait3A_79 : memref<30522xf32, #tpu.memory_space<hbm>>) dst(%dma_wait3A_76 : memref<56xf32, #tpu.memory_space<vmem>>)
      %mul3A_80 = arith.constant 56 : i32
      %mul3A_81 = arith.muli %mul3A_53, %mul3A_80 : i32
      %dma_wait3A_82 = tpu.memref_slice %arg6[%mul3A_81] : memref<7168xi32, #tpu.memory_space<vmem>> -> memref<50xi32, #tpu.memory_space<vmem>>
      %dma_wait3A_83 = arith.constant 0 : i32
      %dma_wait3A_84 = arith.constant 0 : i32
      %dma_wait3A_85 = tpu.memref_slice %arg3[%dma_wait3A_83, %dma_wait3A_84] : memref<30522x768xf32, #tpu.memory_space<hbm>> -> memref<30522x768xf32, #tpu.memory_space<hbm>>
      tpu.wait_indirect_dma semaphore(%arg11 : memref<!tpu.dma_semaphore, #tpu.memory_space<semaphore_mem>>) src(%dma_wait3A_85 : memref<30522x768xf32, #tpu.memory_space<hbm>>) dst(%arg7 : memref<50x768xf32, #tpu.memory_space<vmem>>)
      %gt3A = arith.constant 0 : i32
      %gt3A_86 = arith.cmpi sgt, %scan3A_51, %gt3A : i32
      %convert_element_type3A = arith.extui %gt3A_86 : i1 to i32
      %cond3A = arith.constant 0 : i32
      %cond3A_87 = arith.cmpi ne, %convert_element_type3A, %cond3A : i32
      scf.if %cond3A_87 {
        %sub3A_466 = arith.constant 2 : i32
        %sub3A_467 = arith.subi %mul3A_53, %sub3A_466 : i32
        %add3A_468 = arith.addi %mul3A_2, %sub3A_467 : i32
        %dma_wait3A_469 = arith.constant 0 : i32
        %dma_wait3A_470 = arith.constant 0 : i32
        %dma_wait3A_471 = tpu.memref_slice %arg10[%dma_wait3A_469, %dma_wait3A_470] : memref<2x768xf32, #tpu.memory_space<vmem>> -> memref<1x768xf32, #tpu.memory_space<vmem>>
        %dma_wait3A_472 = tpu.memref_squeeze %dma_wait3A_471 : memref<1x768xf32, #tpu.memory_space<vmem>> -> memref<768xf32, #tpu.memory_space<vmem>>
        %dma_wait3A_473 = arith.constant 0 : i32
        %dma_wait3A_474 = tpu.memref_slice %arg5[%add3A_468, %dma_wait3A_473] : memref<4096x768xf32, #tpu.memory_space<hbm>> -> memref<1x768xf32, #tpu.memory_space<hbm>>
        %dma_wait3A_475 = tpu.memref_squeeze %dma_wait3A_474 : memref<1x768xf32, #tpu.memory_space<hbm>> -> memref<768xf32, #tpu.memory_space<hbm>>
        %dma_wait3A_476 = arith.constant 0 : i32
        %dma_wait3A_477 = tpu.memref_slice %arg5[%add3A_468, %dma_wait3A_476] : memref<4096x768xf32, #tpu.memory_space<hbm>> -> memref<1x768xf32, #tpu.memory_space<hbm>>
        %dma_wait3A_478 = tpu.memref_squeeze %dma_wait3A_477 : memref<1x768xf32, #tpu.memory_space<hbm>> -> memref<768xf32, #tpu.memory_space<hbm>>
        %dma_wait3A_479 = arith.constant 0 : i32
        %dma_wait3A_480 = tpu.memref_slice %arg10[%dma_wait3A_469, %dma_wait3A_479] : memref<2x768xf32, #tpu.memory_space<vmem>> -> memref<1x768xf32, #tpu.memory_space<vmem>>
        %dma_wait3A_481 = tpu.memref_squeeze %dma_wait3A_480 : memref<1x768xf32, #tpu.memory_space<vmem>> -> memref<768xf32, #tpu.memory_space<vmem>>
        tpu.wait_dma2 semaphore(%arg15 : memref<!tpu.dma_semaphore, #tpu.memory_space<semaphore_mem>>) src(%dma_wait3A_481 : memref<768xf32, #tpu.memory_space<vmem>>) dst(%dma_wait3A_478 : memref<768xf32, #tpu.memory_space<hbm>>)
      } else {
      }
      %get3A = arith.constant 0 : i32
      %get3A_88 = arith.index_cast %get3A : i32 to index
      %get3A_89 = arith.constant 0 : index
      %get3A_90 = tpu.vector_load %arg9[%get3A_88, %get3A_89] {strides = array<i32>} : memref<2x64xf32, #tpu.memory_space<vmem>>, vector<16xf32>,
      %get3A_91 = arith.constant 0 : i32
      %get3A_92 = arith.index_cast %get3A_91 : i32 to index
      %get3A_93 = arith.constant 16 : index
      %get3A_94 = tpu.vector_load %arg9[%get3A_92, %get3A_93] {strides = array<i32>} : memref<2x64xf32, #tpu.memory_space<vmem>>, vector<16xf32>,
      %get3A_95 = arith.constant 0 : i32
      %get3A_96 = arith.index_cast %get3A_95 : i32 to index
      %get3A_97 = arith.constant 32 : index
      %get3A_98 = tpu.vector_load %arg9[%get3A_96, %get3A_97] {strides = array<i32>} : memref<2x64xf32, #tpu.memory_space<vmem>>, vector<16xf32>,
      %get3A_99 = arith.constant 0 : i32
      %get3A_100 = arith.index_cast %get3A_99 : i32 to index
      %get3A_101 = arith.constant 48 : index
      %get3A_102 = tpu.vector_load %arg9[%get3A_100, %get3A_101] {strides = array<i32>} : memref<2x64xf32, #tpu.memory_space<vmem>>, vector<16xf32>,
      %lt3A = arith.constant 2 : i32
      %lt3A_103 = vector.broadcast %lt3A : i32 to vector<16xi32>
      %lt3A_104 = arith.cmpi slt, %iota3A, %lt3A_103 : vector<16xi32>
      %jit3A = arith.constant -1.000000e+30 : f32
      %broadcast_in_dim3A = vector.broadcast %jit3A : f32 to vector<16xf32>
      %select_n3A = arith.select %lt3A_104, %get3A_102, %broadcast_in_dim3A : vector<16xi1>, vector<16xf32>
      %max3A = arith.maximumf %get3A_90, %get3A_94 : vector<16xf32>
      %max3A_105 = arith.maximumf %get3A_98, %select_n3A : vector<16xf32>
      %max3A_106 = arith.maximumf %max3A, %max3A_105 : vector<16xf32>
      %reduce_max3A = arith.constant true
      %reduce_max3A_107 = vector.broadcast %reduce_max3A : i1 to vector<16xi1>
      %reduce_max3A_108 = tpu.scan <max>, %max3A_106 masked %reduce_max3A_107 : vector<16xf32>, vector<16xi1> -> vector<16xf32>
      %reduce_max3A_109 = vector.extract %reduce_max3A_108[15] : f32 from vector<16xf32>
      %sub3A = vector.broadcast %reduce_max3A_109 : f32 to vector<16xf32>
      %sub3A_110 = arith.subf %get3A_90, %sub3A : vector<16xf32>
      %exp3A = math.exp %sub3A_110 : vector<16xf32>
      %sub3A_111 = vector.broadcast %reduce_max3A_109 : f32 to vector<16xf32>
      %sub3A_112 = arith.subf %get3A_94, %sub3A_111 : vector<16xf32>
      %exp3A_113 = math.exp %sub3A_112 : vector<16xf32>
      %sub3A_114 = vector.broadcast %reduce_max3A_109 : f32 to vector<16xf32>
      %sub3A_115 = arith.subf %get3A_98, %sub3A_114 : vector<16xf32>
      %exp3A_116 = math.exp %sub3A_115 : vector<16xf32>
      %sub3A_117 = vector.broadcast %reduce_max3A_109 : f32 to vector<16xf32>
      %sub3A_118 = arith.subf %select_n3A, %sub3A_117 : vector<16xf32>
      %exp3A_119 = math.exp %sub3A_118 : vector<16xf32>
      %lt3A_120 = arith.constant 2 : i32
      %lt3A_121 = vector.broadcast %lt3A_120 : i32 to vector<16xi32>
      %lt3A_122 = arith.cmpi slt, %iota3A, %lt3A_121 : vector<16xi32>
      %jit3A_123 = arith.constant 0.000000e+00 : f32
      %broadcast_in_dim3A_124 = vector.broadcast %jit3A_123 : f32 to vector<16xf32>
      %select_n3A_125 = arith.select %lt3A_122, %exp3A_119, %broadcast_in_dim3A_124 : vector<16xi1>, vector<16xf32>
      %add3A_126 = arith.addf %exp3A, %exp3A_113 : vector<16xf32>
      %add3A_127 = arith.addf %add3A_126, %exp3A_116 : vector<16xf32>
      %add3A_128 = arith.addf %add3A_127, %select_n3A_125 : vector<16xf32>
      %reduce_sum3A = arith.constant true
      %reduce_sum3A_129 = vector.broadcast %reduce_sum3A : i1 to vector<16xi1>
      %reduce_sum3A_130 = tpu.scan <sum>, %add3A_128 masked %reduce_sum3A_129 : vector<16xf32>, vector<16xi1> -> vector<16xf32>
      %reduce_sum3A_131 = vector.extract %reduce_sum3A_130[15] : f32 from vector<16xf32>
      %broadcast_in_dim3A_132 = arith.constant 1.000000e+00 : f32
      %broadcast_in_dim3A_133 = vector.broadcast %broadcast_in_dim3A_132 : f32 to vector<16xf32>
      %broadcast_in_dim3A_134 = vector.broadcast %reduce_sum3A_131 : f32 to vector<16xf32>
      %div3A = arith.divf %broadcast_in_dim3A_133, %broadcast_in_dim3A_134 : vector<16xf32>
      %mul3A_135 = arith.mulf %exp3A, %div3A : vector<16xf32>
      %mul3A_136 = arith.mulf %exp3A_113, %div3A : vector<16xf32>
      %mul3A_137 = arith.mulf %exp3A_116, %div3A : vector<16xf32>
      %mul3A_138 = arith.mulf %select_n3A_125, %div3A : vector<16xf32>
      %slice3A = vector.extract_strided_slice %mul3A_135 {offsets = [0], sizes = [1], strides = [1]} : vector<16xf32> to vector<1xf32>
      %squeeze3A = vector.extract %slice3A[0] : f32 from vector<1xf32>
      %slice3A_139 = vector.extract_strided_slice %mul3A_135 {offsets = [1], sizes = [1], strides = [1]} : vector<16xf32> to vector<1xf32>
      %squeeze3A_140 = vector.extract %slice3A_139[0] : f32 from vector<1xf32>
      %slice3A_141 = vector.extract_strided_slice %mul3A_135 {offsets = [2], sizes = [1], strides = [1]} : vector<16xf32> to vector<1xf32>
      %squeeze3A_142 = vector.extract %slice3A_141[0] : f32 from vector<1xf32>
      %slice3A_143 = vector.extract_strided_slice %mul3A_135 {offsets = [3], sizes = [1], strides = [1]} : vector<16xf32> to vector<1xf32>
      %squeeze3A_144 = vector.extract %slice3A_143[0] : f32 from vector<1xf32>
      %slice3A_145 = vector.extract_strided_slice %mul3A_135 {offsets = [4], sizes = [1], strides = [1]} : vector<16xf32> to vector<1xf32>
      %squeeze3A_146 = vector.extract %slice3A_145[0] : f32 from vector<1xf32>
      %slice3A_147 = vector.extract_strided_slice %mul3A_135 {offsets = [5], sizes = [1], strides = [1]} : vector<16xf32> to vector<1xf32>
      %squeeze3A_148 = vector.extract %slice3A_147[0] : f32 from vector<1xf32>
      %slice3A_149 = vector.extract_strided_slice %mul3A_135 {offsets = [6], sizes = [1], strides = [1]} : vector<16xf32> to vector<1xf32>
      %squeeze3A_150 = vector.extract %slice3A_149[0] : f32 from vector<1xf32>
      %slice3A_151 = vector.extract_strided_slice %mul3A_135 {offsets = [7], sizes = [1], strides = [1]} : vector<16xf32> to vector<1xf32>
      %squeeze3A_152 = vector.extract %slice3A_151[0] : f32 from vector<1xf32>
      %slice3A_153 = vector.extract_strided_slice %mul3A_135 {offsets = [8], sizes = [1], strides = [1]} : vector<16xf32> to vector<1xf32>
      %squeeze3A_154 = vector.extract %slice3A_153[0] : f32 from vector<1xf32>
      %slice3A_155 = vector.extract_strided_slice %mul3A_135 {offsets = [9], sizes = [1], strides = [1]} : vector<16xf32> to vector<1xf32>
      %squeeze3A_156 = vector.extract %slice3A_155[0] : f32 from vector<1xf32>
      %slice3A_157 = vector.extract_strided_slice %mul3A_135 {offsets = [10], sizes = [1], strides = [1]} : vector<16xf32> to vector<1xf32>
      %squeeze3A_158 = vector.extract %slice3A_157[0] : f32 from vector<1xf32>
      %slice3A_159 = vector.extract_strided_slice %mul3A_135 {offsets = [11], sizes = [1], strides = [1]} : vector<16xf32> to vector<1xf32>
      %squeeze3A_160 = vector.extract %slice3A_159[0] : f32 from vector<1xf32>
      %slice3A_161 = vector.extract_strided_slice %mul3A_135 {offsets = [12], sizes = [1], strides = [1]} : vector<16xf32> to vector<1xf32>
      %squeeze3A_162 = vector.extract %slice3A_161[0] : f32 from vector<1xf32>
      %slice3A_163 = vector.extract_strided_slice %mul3A_135 {offsets = [13], sizes = [1], strides = [1]} : vector<16xf32> to vector<1xf32>
      %squeeze3A_164 = vector.extract %slice3A_163[0] : f32 from vector<1xf32>
      %slice3A_165 = vector.extract_strided_slice %mul3A_135 {offsets = [14], sizes = [1], strides = [1]} : vector<16xf32> to vector<1xf32>
      %squeeze3A_166 = vector.extract %slice3A_165[0] : f32 from vector<1xf32>
      %slice3A_167 = vector.extract_strided_slice %mul3A_135 {offsets = [15], sizes = [1], strides = [1]} : vector<16xf32> to vector<1xf32>
      %squeeze3A_168 = vector.extract %slice3A_167[0] : f32 from vector<1xf32>
      %slice3A_169 = vector.extract_strided_slice %mul3A_136 {offsets = [0], sizes = [1], strides = [1]} : vector<16xf32> to vector<1xf32>
      %squeeze3A_170 = vector.extract %slice3A_169[0] : f32 from vector<1xf32>
      %slice3A_171 = vector.extract_strided_slice %mul3A_136 {offsets = [1], sizes = [1], strides = [1]} : vector<16xf32> to vector<1xf32>
      %squeeze3A_172 = vector.extract %slice3A_171[0] : f32 from vector<1xf32>
      %slice3A_173 = vector.extract_strided_slice %mul3A_136 {offsets = [2], sizes = [1], strides = [1]} : vector<16xf32> to vector<1xf32>
      %squeeze3A_174 = vector.extract %slice3A_173[0] : f32 from vector<1xf32>
      %slice3A_175 = vector.extract_strided_slice %mul3A_136 {offsets = [3], sizes = [1], strides = [1]} : vector<16xf32> to vector<1xf32>
      %squeeze3A_176 = vector.extract %slice3A_175[0] : f32 from vector<1xf32>
      %slice3A_177 = vector.extract_strided_slice %mul3A_136 {offsets = [4], sizes = [1], strides = [1]} : vector<16xf32> to vector<1xf32>
      %squeeze3A_178 = vector.extract %slice3A_177[0] : f32 from vector<1xf32>
      %slice3A_179 = vector.extract_strided_slice %mul3A_136 {offsets = [5], sizes = [1], strides = [1]} : vector<16xf32> to vector<1xf32>
      %squeeze3A_180 = vector.extract %slice3A_179[0] : f32 from vector<1xf32>
      %slice3A_181 = vector.extract_strided_slice %mul3A_136 {offsets = [6], sizes = [1], strides = [1]} : vector<16xf32> to vector<1xf32>
      %squeeze3A_182 = vector.extract %slice3A_181[0] : f32 from vector<1xf32>
      %slice3A_183 = vector.extract_strided_slice %mul3A_136 {offsets = [7], sizes = [1], strides = [1]} : vector<16xf32> to vector<1xf32>
      %squeeze3A_184 = vector.extract %slice3A_183[0] : f32 from vector<1xf32>
      %slice3A_185 = vector.extract_strided_slice %mul3A_136 {offsets = [8], sizes = [1], strides = [1]} : vector<16xf32> to vector<1xf32>
      %squeeze3A_186 = vector.extract %slice3A_185[0] : f32 from vector<1xf32>
      %slice3A_187 = vector.extract_strided_slice %mul3A_136 {offsets = [9], sizes = [1], strides = [1]} : vector<16xf32> to vector<1xf32>
      %squeeze3A_188 = vector.extract %slice3A_187[0] : f32 from vector<1xf32>
      %slice3A_189 = vector.extract_strided_slice %mul3A_136 {offsets = [10], sizes = [1], strides = [1]} : vector<16xf32> to vector<1xf32>
      %squeeze3A_190 = vector.extract %slice3A_189[0] : f32 from vector<1xf32>
      %slice3A_191 = vector.extract_strided_slice %mul3A_136 {offsets = [11], sizes = [1], strides = [1]} : vector<16xf32> to vector<1xf32>
      %squeeze3A_192 = vector.extract %slice3A_191[0] : f32 from vector<1xf32>
      %slice3A_193 = vector.extract_strided_slice %mul3A_136 {offsets = [12], sizes = [1], strides = [1]} : vector<16xf32> to vector<1xf32>
      %squeeze3A_194 = vector.extract %slice3A_193[0] : f32 from vector<1xf32>
      %slice3A_195 = vector.extract_strided_slice %mul3A_136 {offsets = [13], sizes = [1], strides = [1]} : vector<16xf32> to vector<1xf32>
      %squeeze3A_196 = vector.extract %slice3A_195[0] : f32 from vector<1xf32>
      %slice3A_197 = vector.extract_strided_slice %mul3A_136 {offsets = [14], sizes = [1], strides = [1]} : vector<16xf32> to vector<1xf32>
      %squeeze3A_198 = vector.extract %slice3A_197[0] : f32 from vector<1xf32>
      %slice3A_199 = vector.extract_strided_slice %mul3A_136 {offsets = [15], sizes = [1], strides = [1]} : vector<16xf32> to vector<1xf32>
      %squeeze3A_200 = vector.extract %slice3A_199[0] : f32 from vector<1xf32>
      %slice3A_201 = vector.extract_strided_slice %mul3A_137 {offsets = [0], sizes = [1], strides = [1]} : vector<16xf32> to vector<1xf32>
      %squeeze3A_202 = vector.extract %slice3A_201[0] : f32 from vector<1xf32>
      %slice3A_203 = vector.extract_strided_slice %mul3A_137 {offsets = [1], sizes = [1], strides = [1]} : vector<16xf32> to vector<1xf32>
      %squeeze3A_204 = vector.extract %slice3A_203[0] : f32 from vector<1xf32>
      %slice3A_205 = vector.extract_strided_slice %mul3A_137 {offsets = [2], sizes = [1], strides = [1]} : vector<16xf32> to vector<1xf32>
      %squeeze3A_206 = vector.extract %slice3A_205[0] : f32 from vector<1xf32>
      %slice3A_207 = vector.extract_strided_slice %mul3A_137 {offsets = [3], sizes = [1], strides = [1]} : vector<16xf32> to vector<1xf32>
      %squeeze3A_208 = vector.extract %slice3A_207[0] : f32 from vector<1xf32>
      %slice3A_209 = vector.extract_strided_slice %mul3A_137 {offsets = [4], sizes = [1], strides = [1]} : vector<16xf32> to vector<1xf32>
      %squeeze3A_210 = vector.extract %slice3A_209[0] : f32 from vector<1xf32>
      %slice3A_211 = vector.extract_strided_slice %mul3A_137 {offsets = [5], sizes = [1], strides = [1]} : vector<16xf32> to vector<1xf32>
      %squeeze3A_212 = vector.extract %slice3A_211[0] : f32 from vector<1xf32>
      %slice3A_213 = vector.extract_strided_slice %mul3A_137 {offsets = [6], sizes = [1], strides = [1]} : vector<16xf32> to vector<1xf32>
      %squeeze3A_214 = vector.extract %slice3A_213[0] : f32 from vector<1xf32>
      %slice3A_215 = vector.extract_strided_slice %mul3A_137 {offsets = [7], sizes = [1], strides = [1]} : vector<16xf32> to vector<1xf32>
      %squeeze3A_216 = vector.extract %slice3A_215[0] : f32 from vector<1xf32>
      %slice3A_217 = vector.extract_strided_slice %mul3A_137 {offsets = [8], sizes = [1], strides = [1]} : vector<16xf32> to vector<1xf32>
      %squeeze3A_218 = vector.extract %slice3A_217[0] : f32 from vector<1xf32>
      %slice3A_219 = vector.extract_strided_slice %mul3A_137 {offsets = [9], sizes = [1], strides = [1]} : vector<16xf32> to vector<1xf32>
      %squeeze3A_220 = vector.extract %slice3A_219[0] : f32 from vector<1xf32>
      %slice3A_221 = vector.extract_strided_slice %mul3A_137 {offsets = [10], sizes = [1], strides = [1]} : vector<16xf32> to vector<1xf32>
      %squeeze3A_222 = vector.extract %slice3A_221[0] : f32 from vector<1xf32>
      %slice3A_223 = vector.extract_strided_slice %mul3A_137 {offsets = [11], sizes = [1], strides = [1]} : vector<16xf32> to vector<1xf32>
      %squeeze3A_224 = vector.extract %slice3A_223[0] : f32 from vector<1xf32>
      %slice3A_225 = vector.extract_strided_slice %mul3A_137 {offsets = [12], sizes = [1], strides = [1]} : vector<16xf32> to vector<1xf32>
      %squeeze3A_226 = vector.extract %slice3A_225[0] : f32 from vector<1xf32>
      %slice3A_227 = vector.extract_strided_slice %mul3A_137 {offsets = [13], sizes = [1], strides = [1]} : vector<16xf32> to vector<1xf32>
      %squeeze3A_228 = vector.extract %slice3A_227[0] : f32 from vector<1xf32>
      %slice3A_229 = vector.extract_strided_slice %mul3A_137 {offsets = [14], sizes = [1], strides = [1]} : vector<16xf32> to vector<1xf32>
      %squeeze3A_230 = vector.extract %slice3A_229[0] : f32 from vector<1xf32>
      %slice3A_231 = vector.extract_strided_slice %mul3A_137 {offsets = [15], sizes = [1], strides = [1]} : vector<16xf32> to vector<1xf32>
      %squeeze3A_232 = vector.extract %slice3A_231[0] : f32 from vector<1xf32>
      %slice3A_233 = vector.extract_strided_slice %mul3A_138 {offsets = [0], sizes = [1], strides = [1]} : vector<16xf32> to vector<1xf32>
      %squeeze3A_234 = vector.extract %slice3A_233[0] : f32 from vector<1xf32>
      %slice3A_235 = vector.extract_strided_slice %mul3A_138 {offsets = [1], sizes = [1], strides = [1]} : vector<16xf32> to vector<1xf32>
      %squeeze3A_236 = vector.extract %slice3A_235[0] : f32 from vector<1xf32>
      %scan3A_237 = arith.constant 0 : i32
      %scan3A_238 = arith.constant 0 : i32
      %scan3A_239 = arith.constant 48 : i32
      %scan3A_240 = arith.addi %scan3A_238, %scan3A_239 : i32
      %scan3A_241 = arith.constant 1 : i32
      scf.for %scan3A_466 = %scan3A_238 to %scan3A_240 step %scan3A_241  : i32 {
        %mul3A_467 = arith.constant 16 : i32
        %mul3A_468 = arith.muli %scan3A_466, %mul3A_467 : i32
        %broadcast_in_dim3A_469 = arith.constant 0.000000e+00 : f32
        %broadcast_in_dim3A_470 = vector.broadcast %broadcast_in_dim3A_469 : f32 to vector<16xf32>
        %get3A_471 = arith.constant 0 : i32
        %get3A_472 = arith.index_cast %get3A_471 : i32 to index
        %get3A_473 = arith.index_cast %mul3A_468 : i32 to index
        %get3A_474 = tpu.vector_load %arg7[%get3A_472, %get3A_473] {strides = array<i32>} : memref<50x768xf32, #tpu.memory_space<vmem>>, vector<16xf32>,
        %mul3A_475 = vector.broadcast %squeeze3A : f32 to vector<16xf32>
        %mul3A_476 = arith.mulf %mul3A_475, %get3A_474 : vector<16xf32>
        %add3A_477 = arith.addf %broadcast_in_dim3A_470, %mul3A_476 : vector<16xf32>
        %get3A_478 = arith.constant 1 : i32
        %get3A_479 = arith.index_cast %get3A_478 : i32 to index
        %get3A_480 = arith.index_cast %mul3A_468 : i32 to index
        %get3A_481 = tpu.vector_load %arg7[%get3A_479, %get3A_480] {strides = array<i32>} : memref<50x768xf32, #tpu.memory_space<vmem>>, vector<16xf32>,
        %mul3A_482 = vector.broadcast %squeeze3A_140 : f32 to vector<16xf32>
        %mul3A_483 = arith.mulf %mul3A_482, %get3A_481 : vector<16xf32>
        %add3A_484 = arith.addf %add3A_477, %mul3A_483 : vector<16xf32>
        %get3A_485 = arith.constant 2 : i32
        %get3A_486 = arith.index_cast %get3A_485 : i32 to index
        %get3A_487 = arith.index_cast %mul3A_468 : i32 to index
        %get3A_488 = tpu.vector_load %arg7[%get3A_486, %get3A_487] {strides = array<i32>} : memref<50x768xf32, #tpu.memory_space<vmem>>, vector<16xf32>,
        %mul3A_489 = vector.broadcast %squeeze3A_142 : f32 to vector<16xf32>
        %mul3A_490 = arith.mulf %mul3A_489, %get3A_488 : vector<16xf32>
        %add3A_491 = arith.addf %add3A_484, %mul3A_490 : vector<16xf32>
        %get3A_492 = arith.constant 3 : i32
        %get3A_493 = arith.index_cast %get3A_492 : i32 to index
        %get3A_494 = arith.index_cast %mul3A_468 : i32 to index
        %get3A_495 = tpu.vector_load %arg7[%get3A_493, %get3A_494] {strides = array<i32>} : memref<50x768xf32, #tpu.memory_space<vmem>>, vector<16xf32>,
        %mul3A_496 = vector.broadcast %squeeze3A_144 : f32 to vector<16xf32>
        %mul3A_497 = arith.mulf %mul3A_496, %get3A_495 : vector<16xf32>
        %add3A_498 = arith.addf %add3A_491, %mul3A_497 : vector<16xf32>
        %get3A_499 = arith.constant 4 : i32
        %get3A_500 = arith.index_cast %get3A_499 : i32 to index
        %get3A_501 = arith.index_cast %mul3A_468 : i32 to index
        %get3A_502 = tpu.vector_load %arg7[%get3A_500, %get3A_501] {strides = array<i32>} : memref<50x768xf32, #tpu.memory_space<vmem>>, vector<16xf32>,
        %mul3A_503 = vector.broadcast %squeeze3A_146 : f32 to vector<16xf32>
        %mul3A_504 = arith.mulf %mul3A_503, %get3A_502 : vector<16xf32>
        %add3A_505 = arith.addf %add3A_498, %mul3A_504 : vector<16xf32>
        %get3A_506 = arith.constant 5 : i32
        %get3A_507 = arith.index_cast %get3A_506 : i32 to index
        %get3A_508 = arith.index_cast %mul3A_468 : i32 to index
        %get3A_509 = tpu.vector_load %arg7[%get3A_507, %get3A_508] {strides = array<i32>} : memref<50x768xf32, #tpu.memory_space<vmem>>, vector<16xf32>,
        %mul3A_510 = vector.broadcast %squeeze3A_148 : f32 to vector<16xf32>
        %mul3A_511 = arith.mulf %mul3A_510, %get3A_509 : vector<16xf32>
        %add3A_512 = arith.addf %add3A_505, %mul3A_511 : vector<16xf32>
        %get3A_513 = arith.constant 6 : i32
        %get3A_514 = arith.index_cast %get3A_513 : i32 to index
        %get3A_515 = arith.index_cast %mul3A_468 : i32 to index
        %get3A_516 = tpu.vector_load %arg7[%get3A_514, %get3A_515] {strides = array<i32>} : memref<50x768xf32, #tpu.memory_space<vmem>>, vector<16xf32>,
        %mul3A_517 = vector.broadcast %squeeze3A_150 : f32 to vector<16xf32>
        %mul3A_518 = arith.mulf %mul3A_517, %get3A_516 : vector<16xf32>
        %add3A_519 = arith.addf %add3A_512, %mul3A_518 : vector<16xf32>
        %get3A_520 = arith.constant 7 : i32
        %get3A_521 = arith.index_cast %get3A_520 : i32 to index
        %get3A_522 = arith.index_cast %mul3A_468 : i32 to index
        %get3A_523 = tpu.vector_load %arg7[%get3A_521, %get3A_522] {strides = array<i32>} : memref<50x768xf32, #tpu.memory_space<vmem>>, vector<16xf32>,
        %mul3A_524 = vector.broadcast %squeeze3A_152 : f32 to vector<16xf32>
        %mul3A_525 = arith.mulf %mul3A_524, %get3A_523 : vector<16xf32>
        %add3A_526 = arith.addf %add3A_519, %mul3A_525 : vector<16xf32>
        %get3A_527 = arith.constant 8 : i32
        %get3A_528 = arith.index_cast %get3A_527 : i32 to index
        %get3A_529 = arith.index_cast %mul3A_468 : i32 to index
        %get3A_530 = tpu.vector_load %arg7[%get3A_528, %get3A_529] {strides = array<i32>} : memref<50x768xf32, #tpu.memory_space<vmem>>, vector<16xf32>,
        %mul3A_531 = vector.broadcast %squeeze3A_154 : f32 to vector<16xf32>
        %mul3A_532 = arith.mulf %mul3A_531, %get3A_530 : vector<16xf32>
        %add3A_533 = arith.addf %add3A_526, %mul3A_532 : vector<16xf32>
        %get3A_534 = arith.constant 9 : i32
        %get3A_535 = arith.index_cast %get3A_534 : i32 to index
        %get3A_536 = arith.index_cast %mul3A_468 : i32 to index
        %get3A_537 = tpu.vector_load %arg7[%get3A_535, %get3A_536] {strides = array<i32>} : memref<50x768xf32, #tpu.memory_space<vmem>>, vector<16xf32>,
        %mul3A_538 = vector.broadcast %squeeze3A_156 : f32 to vector<16xf32>
        %mul3A_539 = arith.mulf %mul3A_538, %get3A_537 : vector<16xf32>
        %add3A_540 = arith.addf %add3A_533, %mul3A_539 : vector<16xf32>
        %get3A_541 = arith.constant 10 : i32
        %get3A_542 = arith.index_cast %get3A_541 : i32 to index
        %get3A_543 = arith.index_cast %mul3A_468 : i32 to index
        %get3A_544 = tpu.vector_load %arg7[%get3A_542, %get3A_543] {strides = array<i32>} : memref<50x768xf32, #tpu.memory_space<vmem>>, vector<16xf32>,
        %mul3A_545 = vector.broadcast %squeeze3A_158 : f32 to vector<16xf32>
        %mul3A_546 = arith.mulf %mul3A_545, %get3A_544 : vector<16xf32>
        %add3A_547 = arith.addf %add3A_540, %mul3A_546 : vector<16xf32>
        %get3A_548 = arith.constant 11 : i32
        %get3A_549 = arith.index_cast %get3A_548 : i32 to index
        %get3A_550 = arith.index_cast %mul3A_468 : i32 to index
        %get3A_551 = tpu.vector_load %arg7[%get3A_549, %get3A_550] {strides = array<i32>} : memref<50x768xf32, #tpu.memory_space<vmem>>, vector<16xf32>,
        %mul3A_552 = vector.broadcast %squeeze3A_160 : f32 to vector<16xf32>
        %mul3A_553 = arith.mulf %mul3A_552, %get3A_551 : vector<16xf32>
        %add3A_554 = arith.addf %add3A_547, %mul3A_553 : vector<16xf32>
        %get3A_555 = arith.constant 12 : i32
        %get3A_556 = arith.index_cast %get3A_555 : i32 to index
        %get3A_557 = arith.index_cast %mul3A_468 : i32 to index
        %get3A_558 = tpu.vector_load %arg7[%get3A_556, %get3A_557] {strides = array<i32>} : memref<50x768xf32, #tpu.memory_space<vmem>>, vector<16xf32>,
        %mul3A_559 = vector.broadcast %squeeze3A_162 : f32 to vector<16xf32>
        %mul3A_560 = arith.mulf %mul3A_559, %get3A_558 : vector<16xf32>
        %add3A_561 = arith.addf %add3A_554, %mul3A_560 : vector<16xf32>
        %get3A_562 = arith.constant 13 : i32
        %get3A_563 = arith.index_cast %get3A_562 : i32 to index
        %get3A_564 = arith.index_cast %mul3A_468 : i32 to index
        %get3A_565 = tpu.vector_load %arg7[%get3A_563, %get3A_564] {strides = array<i32>} : memref<50x768xf32, #tpu.memory_space<vmem>>, vector<16xf32>,
        %mul3A_566 = vector.broadcast %squeeze3A_164 : f32 to vector<16xf32>
        %mul3A_567 = arith.mulf %mul3A_566, %get3A_565 : vector<16xf32>
        %add3A_568 = arith.addf %add3A_561, %mul3A_567 : vector<16xf32>
        %get3A_569 = arith.constant 14 : i32
        %get3A_570 = arith.index_cast %get3A_569 : i32 to index
        %get3A_571 = arith.index_cast %mul3A_468 : i32 to index
        %get3A_572 = tpu.vector_load %arg7[%get3A_570, %get3A_571] {strides = array<i32>} : memref<50x768xf32, #tpu.memory_space<vmem>>, vector<16xf32>,
        %mul3A_573 = vector.broadcast %squeeze3A_166 : f32 to vector<16xf32>
        %mul3A_574 = arith.mulf %mul3A_573, %get3A_572 : vector<16xf32>
        %add3A_575 = arith.addf %add3A_568, %mul3A_574 : vector<16xf32>
        %get3A_576 = arith.constant 15 : i32
        %get3A_577 = arith.index_cast %get3A_576 : i32 to index
        %get3A_578 = arith.index_cast %mul3A_468 : i32 to index
        %get3A_579 = tpu.vector_load %arg7[%get3A_577, %get3A_578] {strides = array<i32>} : memref<50x768xf32, #tpu.memory_space<vmem>>, vector<16xf32>,
        %mul3A_580 = vector.broadcast %squeeze3A_168 : f32 to vector<16xf32>
        %mul3A_581 = arith.mulf %mul3A_580, %get3A_579 : vector<16xf32>
        %add3A_582 = arith.addf %add3A_575, %mul3A_581 : vector<16xf32>
        %get3A_583 = arith.constant 16 : i32
        %get3A_584 = arith.index_cast %get3A_583 : i32 to index
        %get3A_585 = arith.index_cast %mul3A_468 : i32 to index
        %get3A_586 = tpu.vector_load %arg7[%get3A_584, %get3A_585] {strides = array<i32>} : memref<50x768xf32, #tpu.memory_space<vmem>>, vector<16xf32>,
        %mul3A_587 = vector.broadcast %squeeze3A_170 : f32 to vector<16xf32>
        %mul3A_588 = arith.mulf %mul3A_587, %get3A_586 : vector<16xf32>
        %add3A_589 = arith.addf %add3A_582, %mul3A_588 : vector<16xf32>
        %get3A_590 = arith.constant 17 : i32
        %get3A_591 = arith.index_cast %get3A_590 : i32 to index
        %get3A_592 = arith.index_cast %mul3A_468 : i32 to index
        %get3A_593 = tpu.vector_load %arg7[%get3A_591, %get3A_592] {strides = array<i32>} : memref<50x768xf32, #tpu.memory_space<vmem>>, vector<16xf32>,
        %mul3A_594 = vector.broadcast %squeeze3A_172 : f32 to vector<16xf32>
        %mul3A_595 = arith.mulf %mul3A_594, %get3A_593 : vector<16xf32>
        %add3A_596 = arith.addf %add3A_589, %mul3A_595 : vector<16xf32>
        %get3A_597 = arith.constant 18 : i32
        %get3A_598 = arith.index_cast %get3A_597 : i32 to index
        %get3A_599 = arith.index_cast %mul3A_468 : i32 to index
        %get3A_600 = tpu.vector_load %arg7[%get3A_598, %get3A_599] {strides = array<i32>} : memref<50x768xf32, #tpu.memory_space<vmem>>, vector<16xf32>,
        %mul3A_601 = vector.broadcast %squeeze3A_174 : f32 to vector<16xf32>
        %mul3A_602 = arith.mulf %mul3A_601, %get3A_600 : vector<16xf32>
        %add3A_603 = arith.addf %add3A_596, %mul3A_602 : vector<16xf32>
        %get3A_604 = arith.constant 19 : i32
        %get3A_605 = arith.index_cast %get3A_604 : i32 to index
        %get3A_606 = arith.index_cast %mul3A_468 : i32 to index
        %get3A_607 = tpu.vector_load %arg7[%get3A_605, %get3A_606] {strides = array<i32>} : memref<50x768xf32, #tpu.memory_space<vmem>>, vector<16xf32>,
        %mul3A_608 = vector.broadcast %squeeze3A_176 : f32 to vector<16xf32>
        %mul3A_609 = arith.mulf %mul3A_608, %get3A_607 : vector<16xf32>
        %add3A_610 = arith.addf %add3A_603, %mul3A_609 : vector<16xf32>
        %get3A_611 = arith.constant 20 : i32
        %get3A_612 = arith.index_cast %get3A_611 : i32 to index
        %get3A_613 = arith.index_cast %mul3A_468 : i32 to index
        %get3A_614 = tpu.vector_load %arg7[%get3A_612, %get3A_613] {strides = array<i32>} : memref<50x768xf32, #tpu.memory_space<vmem>>, vector<16xf32>,
        %mul3A_615 = vector.broadcast %squeeze3A_178 : f32 to vector<16xf32>
        %mul3A_616 = arith.mulf %mul3A_615, %get3A_614 : vector<16xf32>
        %add3A_617 = arith.addf %add3A_610, %mul3A_616 : vector<16xf32>
        %get3A_618 = arith.constant 21 : i32
        %get3A_619 = arith.index_cast %get3A_618 : i32 to index
        %get3A_620 = arith.index_cast %mul3A_468 : i32 to index
        %get3A_621 = tpu.vector_load %arg7[%get3A_619, %get3A_620] {strides = array<i32>} : memref<50x768xf32, #tpu.memory_space<vmem>>, vector<16xf32>,
        %mul3A_622 = vector.broadcast %squeeze3A_180 : f32 to vector<16xf32>
        %mul3A_623 = arith.mulf %mul3A_622, %get3A_621 : vector<16xf32>
        %add3A_624 = arith.addf %add3A_617, %mul3A_623 : vector<16xf32>
        %get3A_625 = arith.constant 22 : i32
        %get3A_626 = arith.index_cast %get3A_625 : i32 to index
        %get3A_627 = arith.index_cast %mul3A_468 : i32 to index
        %get3A_628 = tpu.vector_load %arg7[%get3A_626, %get3A_627] {strides = array<i32>} : memref<50x768xf32, #tpu.memory_space<vmem>>, vector<16xf32>,
        %mul3A_629 = vector.broadcast %squeeze3A_182 : f32 to vector<16xf32>
        %mul3A_630 = arith.mulf %mul3A_629, %get3A_628 : vector<16xf32>
        %add3A_631 = arith.addf %add3A_624, %mul3A_630 : vector<16xf32>
        %get3A_632 = arith.constant 23 : i32
        %get3A_633 = arith.index_cast %get3A_632 : i32 to index
        %get3A_634 = arith.index_cast %mul3A_468 : i32 to index
        %get3A_635 = tpu.vector_load %arg7[%get3A_633, %get3A_634] {strides = array<i32>} : memref<50x768xf32, #tpu.memory_space<vmem>>, vector<16xf32>,
        %mul3A_636 = vector.broadcast %squeeze3A_184 : f32 to vector<16xf32>
        %mul3A_637 = arith.mulf %mul3A_636, %get3A_635 : vector<16xf32>
        %add3A_638 = arith.addf %add3A_631, %mul3A_637 : vector<16xf32>
        %get3A_639 = arith.constant 24 : i32
        %get3A_640 = arith.index_cast %get3A_639 : i32 to index
        %get3A_641 = arith.index_cast %mul3A_468 : i32 to index
        %get3A_642 = tpu.vector_load %arg7[%get3A_640, %get3A_641] {strides = array<i32>} : memref<50x768xf32, #tpu.memory_space<vmem>>, vector<16xf32>,
        %mul3A_643 = vector.broadcast %squeeze3A_186 : f32 to vector<16xf32>
        %mul3A_644 = arith.mulf %mul3A_643, %get3A_642 : vector<16xf32>
        %add3A_645 = arith.addf %add3A_638, %mul3A_644 : vector<16xf32>
        %get3A_646 = arith.constant 25 : i32
        %get3A_647 = arith.index_cast %get3A_646 : i32 to index
        %get3A_648 = arith.index_cast %mul3A_468 : i32 to index
        %get3A_649 = tpu.vector_load %arg7[%get3A_647, %get3A_648] {strides = array<i32>} : memref<50x768xf32, #tpu.memory_space<vmem>>, vector<16xf32>,
        %mul3A_650 = vector.broadcast %squeeze3A_188 : f32 to vector<16xf32>
        %mul3A_651 = arith.mulf %mul3A_650, %get3A_649 : vector<16xf32>
        %add3A_652 = arith.addf %add3A_645, %mul3A_651 : vector<16xf32>
        %get3A_653 = arith.constant 26 : i32
        %get3A_654 = arith.index_cast %get3A_653 : i32 to index
        %get3A_655 = arith.index_cast %mul3A_468 : i32 to index
        %get3A_656 = tpu.vector_load %arg7[%get3A_654, %get3A_655] {strides = array<i32>} : memref<50x768xf32, #tpu.memory_space<vmem>>, vector<16xf32>,
        %mul3A_657 = vector.broadcast %squeeze3A_190 : f32 to vector<16xf32>
        %mul3A_658 = arith.mulf %mul3A_657, %get3A_656 : vector<16xf32>
        %add3A_659 = arith.addf %add3A_652, %mul3A_658 : vector<16xf32>
        %get3A_660 = arith.constant 27 : i32
        %get3A_661 = arith.index_cast %get3A_660 : i32 to index
        %get3A_662 = arith.index_cast %mul3A_468 : i32 to index
        %get3A_663 = tpu.vector_load %arg7[%get3A_661, %get3A_662] {strides = array<i32>} : memref<50x768xf32, #tpu.memory_space<vmem>>, vector<16xf32>,
        %mul3A_664 = vector.broadcast %squeeze3A_192 : f32 to vector<16xf32>
        %mul3A_665 = arith.mulf %mul3A_664, %get3A_663 : vector<16xf32>
        %add3A_666 = arith.addf %add3A_659, %mul3A_665 : vector<16xf32>
        %get3A_667 = arith.constant 28 : i32
        %get3A_668 = arith.index_cast %get3A_667 : i32 to index
        %get3A_669 = arith.index_cast %mul3A_468 : i32 to index
        %get3A_670 = tpu.vector_load %arg7[%get3A_668, %get3A_669] {strides = array<i32>} : memref<50x768xf32, #tpu.memory_space<vmem>>, vector<16xf32>,
        %mul3A_671 = vector.broadcast %squeeze3A_194 : f32 to vector<16xf32>
        %mul3A_672 = arith.mulf %mul3A_671, %get3A_670 : vector<16xf32>
        %add3A_673 = arith.addf %add3A_666, %mul3A_672 : vector<16xf32>
        %get3A_674 = arith.constant 29 : i32
        %get3A_675 = arith.index_cast %get3A_674 : i32 to index
        %get3A_676 = arith.index_cast %mul3A_468 : i32 to index
        %get3A_677 = tpu.vector_load %arg7[%get3A_675, %get3A_676] {strides = array<i32>} : memref<50x768xf32, #tpu.memory_space<vmem>>, vector<16xf32>,
        %mul3A_678 = vector.broadcast %squeeze3A_196 : f32 to vector<16xf32>
        %mul3A_679 = arith.mulf %mul3A_678, %get3A_677 : vector<16xf32>
        %add3A_680 = arith.addf %add3A_673, %mul3A_679 : vector<16xf32>
        %get3A_681 = arith.constant 30 : i32
        %get3A_682 = arith.index_cast %get3A_681 : i32 to index
        %get3A_683 = arith.index_cast %mul3A_468 : i32 to index
        %get3A_684 = tpu.vector_load %arg7[%get3A_682, %get3A_683] {strides = array<i32>} : memref<50x768xf32, #tpu.memory_space<vmem>>, vector<16xf32>,
        %mul3A_685 = vector.broadcast %squeeze3A_198 : f32 to vector<16xf32>
        %mul3A_686 = arith.mulf %mul3A_685, %get3A_684 : vector<16xf32>
        %add3A_687 = arith.addf %add3A_680, %mul3A_686 : vector<16xf32>
        %get3A_688 = arith.constant 31 : i32
        %get3A_689 = arith.index_cast %get3A_688 : i32 to index
        %get3A_690 = arith.index_cast %mul3A_468 : i32 to index
        %get3A_691 = tpu.vector_load %arg7[%get3A_689, %get3A_690] {strides = array<i32>} : memref<50x768xf32, #tpu.memory_space<vmem>>, vector<16xf32>,
        %mul3A_692 = vector.broadcast %squeeze3A_200 : f32 to vector<16xf32>
        %mul3A_693 = arith.mulf %mul3A_692, %get3A_691 : vector<16xf32>
        %add3A_694 = arith.addf %add3A_687, %mul3A_693 : vector<16xf32>
        %get3A_695 = arith.constant 32 : i32
        %get3A_696 = arith.index_cast %get3A_695 : i32 to index
        %get3A_697 = arith.index_cast %mul3A_468 : i32 to index
        %get3A_698 = tpu.vector_load %arg7[%get3A_696, %get3A_697] {strides = array<i32>} : memref<50x768xf32, #tpu.memory_space<vmem>>, vector<16xf32>,
        %mul3A_699 = vector.broadcast %squeeze3A_202 : f32 to vector<16xf32>
        %mul3A_700 = arith.mulf %mul3A_699, %get3A_698 : vector<16xf32>
        %add3A_701 = arith.addf %add3A_694, %mul3A_700 : vector<16xf32>
        %get3A_702 = arith.constant 33 : i32
        %get3A_703 = arith.index_cast %get3A_702 : i32 to index
        %get3A_704 = arith.index_cast %mul3A_468 : i32 to index
        %get3A_705 = tpu.vector_load %arg7[%get3A_703, %get3A_704] {strides = array<i32>} : memref<50x768xf32, #tpu.memory_space<vmem>>, vector<16xf32>,
        %mul3A_706 = vector.broadcast %squeeze3A_204 : f32 to vector<16xf32>
        %mul3A_707 = arith.mulf %mul3A_706, %get3A_705 : vector<16xf32>
        %add3A_708 = arith.addf %add3A_701, %mul3A_707 : vector<16xf32>
        %get3A_709 = arith.constant 34 : i32
        %get3A_710 = arith.index_cast %get3A_709 : i32 to index
        %get3A_711 = arith.index_cast %mul3A_468 : i32 to index
        %get3A_712 = tpu.vector_load %arg7[%get3A_710, %get3A_711] {strides = array<i32>} : memref<50x768xf32, #tpu.memory_space<vmem>>, vector<16xf32>,
        %mul3A_713 = vector.broadcast %squeeze3A_206 : f32 to vector<16xf32>
        %mul3A_714 = arith.mulf %mul3A_713, %get3A_712 : vector<16xf32>
        %add3A_715 = arith.addf %add3A_708, %mul3A_714 : vector<16xf32>
        %get3A_716 = arith.constant 35 : i32
        %get3A_717 = arith.index_cast %get3A_716 : i32 to index
        %get3A_718 = arith.index_cast %mul3A_468 : i32 to index
        %get3A_719 = tpu.vector_load %arg7[%get3A_717, %get3A_718] {strides = array<i32>} : memref<50x768xf32, #tpu.memory_space<vmem>>, vector<16xf32>,
        %mul3A_720 = vector.broadcast %squeeze3A_208 : f32 to vector<16xf32>
        %mul3A_721 = arith.mulf %mul3A_720, %get3A_719 : vector<16xf32>
        %add3A_722 = arith.addf %add3A_715, %mul3A_721 : vector<16xf32>
        %get3A_723 = arith.constant 36 : i32
        %get3A_724 = arith.index_cast %get3A_723 : i32 to index
        %get3A_725 = arith.index_cast %mul3A_468 : i32 to index
        %get3A_726 = tpu.vector_load %arg7[%get3A_724, %get3A_725] {strides = array<i32>} : memref<50x768xf32, #tpu.memory_space<vmem>>, vector<16xf32>,
        %mul3A_727 = vector.broadcast %squeeze3A_210 : f32 to vector<16xf32>
        %mul3A_728 = arith.mulf %mul3A_727, %get3A_726 : vector<16xf32>
        %add3A_729 = arith.addf %add3A_722, %mul3A_728 : vector<16xf32>
        %get3A_730 = arith.constant 37 : i32
        %get3A_731 = arith.index_cast %get3A_730 : i32 to index
        %get3A_732 = arith.index_cast %mul3A_468 : i32 to index
        %get3A_733 = tpu.vector_load %arg7[%get3A_731, %get3A_732] {strides = array<i32>} : memref<50x768xf32, #tpu.memory_space<vmem>>, vector<16xf32>,
        %mul3A_734 = vector.broadcast %squeeze3A_212 : f32 to vector<16xf32>
        %mul3A_735 = arith.mulf %mul3A_734, %get3A_733 : vector<16xf32>
        %add3A_736 = arith.addf %add3A_729, %mul3A_735 : vector<16xf32>
        %get3A_737 = arith.constant 38 : i32
        %get3A_738 = arith.index_cast %get3A_737 : i32 to index
        %get3A_739 = arith.index_cast %mul3A_468 : i32 to index
        %get3A_740 = tpu.vector_load %arg7[%get3A_738, %get3A_739] {strides = array<i32>} : memref<50x768xf32, #tpu.memory_space<vmem>>, vector<16xf32>,
        %mul3A_741 = vector.broadcast %squeeze3A_214 : f32 to vector<16xf32>
        %mul3A_742 = arith.mulf %mul3A_741, %get3A_740 : vector<16xf32>
        %add3A_743 = arith.addf %add3A_736, %mul3A_742 : vector<16xf32>
        %get3A_744 = arith.constant 39 : i32
        %get3A_745 = arith.index_cast %get3A_744 : i32 to index
        %get3A_746 = arith.index_cast %mul3A_468 : i32 to index
        %get3A_747 = tpu.vector_load %arg7[%get3A_745, %get3A_746] {strides = array<i32>} : memref<50x768xf32, #tpu.memory_space<vmem>>, vector<16xf32>,
        %mul3A_748 = vector.broadcast %squeeze3A_216 : f32 to vector<16xf32>
        %mul3A_749 = arith.mulf %mul3A_748, %get3A_747 : vector<16xf32>
        %add3A_750 = arith.addf %add3A_743, %mul3A_749 : vector<16xf32>
        %get3A_751 = arith.constant 40 : i32
        %get3A_752 = arith.index_cast %get3A_751 : i32 to index
        %get3A_753 = arith.index_cast %mul3A_468 : i32 to index
        %get3A_754 = tpu.vector_load %arg7[%get3A_752, %get3A_753] {strides = array<i32>} : memref<50x768xf32, #tpu.memory_space<vmem>>, vector<16xf32>,
        %mul3A_755 = vector.broadcast %squeeze3A_218 : f32 to vector<16xf32>
        %mul3A_756 = arith.mulf %mul3A_755, %get3A_754 : vector<16xf32>
        %add3A_757 = arith.addf %add3A_750, %mul3A_756 : vector<16xf32>
        %get3A_758 = arith.constant 41 : i32
        %get3A_759 = arith.index_cast %get3A_758 : i32 to index
        %get3A_760 = arith.index_cast %mul3A_468 : i32 to index
        %get3A_761 = tpu.vector_load %arg7[%get3A_759, %get3A_760] {strides = array<i32>} : memref<50x768xf32, #tpu.memory_space<vmem>>, vector<16xf32>,
        %mul3A_762 = vector.broadcast %squeeze3A_220 : f32 to vector<16xf32>
        %mul3A_763 = arith.mulf %mul3A_762, %get3A_761 : vector<16xf32>
        %add3A_764 = arith.addf %add3A_757, %mul3A_763 : vector<16xf32>
        %get3A_765 = arith.constant 42 : i32
        %get3A_766 = arith.index_cast %get3A_765 : i32 to index
        %get3A_767 = arith.index_cast %mul3A_468 : i32 to index
        %get3A_768 = tpu.vector_load %arg7[%get3A_766, %get3A_767] {strides = array<i32>} : memref<50x768xf32, #tpu.memory_space<vmem>>, vector<16xf32>,
        %mul3A_769 = vector.broadcast %squeeze3A_222 : f32 to vector<16xf32>
        %mul3A_770 = arith.mulf %mul3A_769, %get3A_768 : vector<16xf32>
        %add3A_771 = arith.addf %add3A_764, %mul3A_770 : vector<16xf32>
        %get3A_772 = arith.constant 43 : i32
        %get3A_773 = arith.index_cast %get3A_772 : i32 to index
        %get3A_774 = arith.index_cast %mul3A_468 : i32 to index
        %get3A_775 = tpu.vector_load %arg7[%get3A_773, %get3A_774] {strides = array<i32>} : memref<50x768xf32, #tpu.memory_space<vmem>>, vector<16xf32>,
        %mul3A_776 = vector.broadcast %squeeze3A_224 : f32 to vector<16xf32>
        %mul3A_777 = arith.mulf %mul3A_776, %get3A_775 : vector<16xf32>
        %add3A_778 = arith.addf %add3A_771, %mul3A_777 : vector<16xf32>
        %get3A_779 = arith.constant 44 : i32
        %get3A_780 = arith.index_cast %get3A_779 : i32 to index
        %get3A_781 = arith.index_cast %mul3A_468 : i32 to index
        %get3A_782 = tpu.vector_load %arg7[%get3A_780, %get3A_781] {strides = array<i32>} : memref<50x768xf32, #tpu.memory_space<vmem>>, vector<16xf32>,
        %mul3A_783 = vector.broadcast %squeeze3A_226 : f32 to vector<16xf32>
        %mul3A_784 = arith.mulf %mul3A_783, %get3A_782 : vector<16xf32>
        %add3A_785 = arith.addf %add3A_778, %mul3A_784 : vector<16xf32>
        %get3A_786 = arith.constant 45 : i32
        %get3A_787 = arith.index_cast %get3A_786 : i32 to index
        %get3A_788 = arith.index_cast %mul3A_468 : i32 to index
        %get3A_789 = tpu.vector_load %arg7[%get3A_787, %get3A_788] {strides = array<i32>} : memref<50x768xf32, #tpu.memory_space<vmem>>, vector<16xf32>,
        %mul3A_790 = vector.broadcast %squeeze3A_228 : f32 to vector<16xf32>
        %mul3A_791 = arith.mulf %mul3A_790, %get3A_789 : vector<16xf32>
        %add3A_792 = arith.addf %add3A_785, %mul3A_791 : vector<16xf32>
        %get3A_793 = arith.constant 46 : i32
        %get3A_794 = arith.index_cast %get3A_793 : i32 to index
        %get3A_795 = arith.index_cast %mul3A_468 : i32 to index
        %get3A_796 = tpu.vector_load %arg7[%get3A_794, %get3A_795] {strides = array<i32>} : memref<50x768xf32, #tpu.memory_space<vmem>>, vector<16xf32>,
        %mul3A_797 = vector.broadcast %squeeze3A_230 : f32 to vector<16xf32>
        %mul3A_798 = arith.mulf %mul3A_797, %get3A_796 : vector<16xf32>
        %add3A_799 = arith.addf %add3A_792, %mul3A_798 : vector<16xf32>
        %get3A_800 = arith.constant 47 : i32
        %get3A_801 = arith.index_cast %get3A_800 : i32 to index
        %get3A_802 = arith.index_cast %mul3A_468 : i32 to index
        %get3A_803 = tpu.vector_load %arg7[%get3A_801, %get3A_802] {strides = array<i32>} : memref<50x768xf32, #tpu.memory_space<vmem>>, vector<16xf32>,
        %mul3A_804 = vector.broadcast %squeeze3A_232 : f32 to vector<16xf32>
        %mul3A_805 = arith.mulf %mul3A_804, %get3A_803 : vector<16xf32>
        %add3A_806 = arith.addf %add3A_799, %mul3A_805 : vector<16xf32>
        %get3A_807 = arith.constant 48 : i32
        %get3A_808 = arith.index_cast %get3A_807 : i32 to index
        %get3A_809 = arith.index_cast %mul3A_468 : i32 to index
        %get3A_810 = tpu.vector_load %arg7[%get3A_808, %get3A_809] {strides = array<i32>} : memref<50x768xf32, #tpu.memory_space<vmem>>, vector<16xf32>,
        %mul3A_811 = vector.broadcast %squeeze3A_234 : f32 to vector<16xf32>
        %mul3A_812 = arith.mulf %mul3A_811, %get3A_810 : vector<16xf32>
        %add3A_813 = arith.addf %add3A_806, %mul3A_812 : vector<16xf32>
        %get3A_814 = arith.constant 49 : i32
        %get3A_815 = arith.index_cast %get3A_814 : i32 to index
        %get3A_816 = arith.index_cast %mul3A_468 : i32 to index
        %get3A_817 = tpu.vector_load %arg7[%get3A_815, %get3A_816] {strides = array<i32>} : memref<50x768xf32, #tpu.memory_space<vmem>>, vector<16xf32>,
        %mul3A_818 = vector.broadcast %squeeze3A_236 : f32 to vector<16xf32>
        %mul3A_819 = arith.mulf %mul3A_818, %get3A_817 : vector<16xf32>
        %add3A_820 = arith.addf %add3A_813, %mul3A_819 : vector<16xf32>
        %swap3A = arith.constant 0 : i32
        %swap3A_821 = arith.index_cast %swap3A : i32 to index
        %swap3A_822 = arith.index_cast %mul3A_468 : i32 to index
        %swap3A_823 = tpu.vector_load %arg10[%swap3A_821, %swap3A_822] {strides = array<i32>} : memref<2x768xf32, #tpu.memory_space<vmem>>, vector<16xf32>,
        tpu.vector_store %arg10[%swap3A_821, %swap3A_822], %add3A_820 {strides = array<i32>} : memref<2x768xf32, #tpu.memory_space<vmem>>, vector<16xf32>,
      }
      %scan3A_242 = arith.constant 48 : i32
      %add3A_243 = arith.addi %mul3A_2, %mul3A_53 : i32
      %dma_start3A_244 = arith.constant 0 : i32
      %dma_start3A_245 = arith.constant 0 : i32
      %dma_start3A_246 = tpu.memref_slice %arg10[%dma_start3A_244, %dma_start3A_245] : memref<2x768xf32, #tpu.memory_space<vmem>> -> memref<1x768xf32, #tpu.memory_space<vmem>>
      %dma_start3A_247 = tpu.memref_squeeze %dma_start3A_246 : memref<1x768xf32, #tpu.memory_space<vmem>> -> memref<768xf32, #tpu.memory_space<vmem>>
      %dma_start3A_248 = arith.constant 0 : i32
      %dma_start3A_249 = tpu.memref_slice %arg5[%add3A_243, %dma_start3A_248] : memref<4096x768xf32, #tpu.memory_space<hbm>> -> memref<1x768xf32, #tpu.memory_space<hbm>>
      %dma_start3A_250 = tpu.memref_squeeze %dma_start3A_249 : memref<1x768xf32, #tpu.memory_space<hbm>> -> memref<768xf32, #tpu.memory_space<hbm>>
      %dma_start3A_251 = arith.constant 0 : i32
      %dma_start3A_252 = tpu.memref_slice %arg5[%add3A_243, %dma_start3A_251] : memref<4096x768xf32, #tpu.memory_space<hbm>> -> memref<1x768xf32, #tpu.memory_space<hbm>>
      %dma_start3A_253 = tpu.memref_squeeze %dma_start3A_252 : memref<1x768xf32, #tpu.memory_space<hbm>> -> memref<768xf32, #tpu.memory_space<hbm>>
      %dma_start3A_254 = arith.constant 0 : i32
      %dma_start3A_255 = tpu.memref_slice %arg10[%dma_start3A_244, %dma_start3A_254] : memref<2x768xf32, #tpu.memory_space<vmem>> -> memref<1x768xf32, #tpu.memory_space<vmem>>
      %dma_start3A_256 = tpu.memref_squeeze %dma_start3A_255 : memref<1x768xf32, #tpu.memory_space<vmem>> -> memref<768xf32, #tpu.memory_space<vmem>>
      tpu.enqueue_dma source(%dma_start3A_256 : memref<768xf32, #tpu.memory_space<vmem>>) target(%dma_start3A_253 : memref<768xf32, #tpu.memory_space<hbm>>) target_semaphore(%arg15 : memref<!tpu.dma_semaphore, #tpu.memory_space<semaphore_mem>>)
      %add3A_257 = arith.constant 1 : i32
      %add3A_258 = arith.addi %add3A_55, %add3A_257 : i32
      %lt3A_259 = arith.constant 128 : i32
      %lt3A_260 = arith.cmpi slt, %add3A_258, %lt3A_259 : i32
      %convert_element_type3A_261 = arith.extui %lt3A_260 : i1 to i32
      %cond3A_262 = arith.constant 0 : i32
      %cond3A_263 = arith.cmpi ne, %convert_element_type3A_261, %cond3A_262 : i32
      scf.if %cond3A_263 {
        %add3A_466 = arith.constant 1 : i32
        %add3A_467 = arith.addi %add3A_55, %add3A_466 : i32
        %mul3A_468 = arith.constant 56 : i32
        %mul3A_469 = arith.muli %add3A_467, %mul3A_468 : i32
        %dma_start3A_470 = tpu.memref_slice %arg6[%mul3A_469] : memref<7168xi32, #tpu.memory_space<vmem>> -> memref<50xi32, #tpu.memory_space<vmem>>
        %dma_start3A_471 = arith.constant 0 : i32
        %dma_start3A_472 = arith.constant 0 : i32
        %dma_start3A_473 = tpu.memref_slice %arg3[%dma_start3A_471, %dma_start3A_472] : memref<30522x768xf32, #tpu.memory_space<hbm>> -> memref<30522x768xf32, #tpu.memory_space<hbm>>
        tpu.enqueue_indirect_dma source(%dma_start3A_473 : memref<30522x768xf32, #tpu.memory_space<hbm>>) target(%arg7 : memref<50x768xf32, #tpu.memory_space<vmem>>) offsets(%dma_start3A_470 : memref<50xi32, #tpu.memory_space<vmem>>) semaphore(%arg11 : memref<!tpu.dma_semaphore, #tpu.memory_space<semaphore_mem>>)
        %mul3A_474 = arith.constant 56 : i32
        %mul3A_475 = arith.muli %add3A_467, %mul3A_474 : i32
        %dma_start3A_476 = arith.constant 0 : i32
        %dma_start3A_477 = arith.constant 0 : i32
        %dma_start3A_478 = tpu.memref_slice %arg9[%dma_start3A_476, %dma_start3A_477] : memref<2x64xf32, #tpu.memory_space<vmem>> -> memref<1x56xf32, #tpu.memory_space<vmem>>
        %dma_start3A_479 = tpu.memref_squeeze %dma_start3A_478 : memref<1x56xf32, #tpu.memory_space<vmem>> -> memref<56xf32, #tpu.memory_space<vmem>>
        %dma_start3A_480 = tpu.memref_slice %arg6[%mul3A_475] : memref<7168xi32, #tpu.memory_space<vmem>> -> memref<56xi32, #tpu.memory_space<vmem>>
        %dma_start3A_481 = arith.constant 0 : i32
        %dma_start3A_482 = tpu.memref_slice %arg4[%dma_start3A_481] : memref<30522xf32, #tpu.memory_space<hbm>> -> memref<30522xf32, #tpu.memory_space<hbm>>
        tpu.enqueue_indirect_dma source(%dma_start3A_482 : memref<30522xf32, #tpu.memory_space<hbm>>) target(%dma_start3A_479 : memref<56xf32, #tpu.memory_space<vmem>>) offsets(%dma_start3A_480 : memref<56xi32, #tpu.memory_space<vmem>>) semaphore(%arg13 : memref<!tpu.dma_semaphore, #tpu.memory_space<semaphore_mem>>)
      } else {
      }
      %mul3A_264 = arith.constant 56 : i32
      %mul3A_265 = arith.muli %add3A_55, %mul3A_264 : i32
      %dma_wait3A_266 = arith.constant 1 : i32
      %dma_wait3A_267 = arith.constant 0 : i32
      %dma_wait3A_268 = tpu.memref_slice %arg9[%dma_wait3A_266, %dma_wait3A_267] : memref<2x64xf32, #tpu.memory_space<vmem>> -> memref<1x56xf32, #tpu.memory_space<vmem>>
      %dma_wait3A_269 = tpu.memref_squeeze %dma_wait3A_268 : memref<1x56xf32, #tpu.memory_space<vmem>> -> memref<56xf32, #tpu.memory_space<vmem>>
      %dma_wait3A_270 = tpu.memref_slice %arg6[%mul3A_265] : memref<7168xi32, #tpu.memory_space<vmem>> -> memref<56xi32, #tpu.memory_space<vmem>>
      %dma_wait3A_271 = arith.constant 0 : i32
      %dma_wait3A_272 = tpu.memref_slice %arg4[%dma_wait3A_271] : memref<30522xf32, #tpu.memory_space<hbm>> -> memref<30522xf32, #tpu.memory_space<hbm>>
      tpu.wait_indirect_dma semaphore(%arg14 : memref<!tpu.dma_semaphore, #tpu.memory_space<semaphore_mem>>) src(%dma_wait3A_272 : memref<30522xf32, #tpu.memory_space<hbm>>) dst(%dma_wait3A_269 : memref<56xf32, #tpu.memory_space<vmem>>)
      %mul3A_273 = arith.constant 56 : i32
      %mul3A_274 = arith.muli %add3A_55, %mul3A_273 : i32
      %dma_wait3A_275 = tpu.memref_slice %arg6[%mul3A_274] : memref<7168xi32, #tpu.memory_space<vmem>> -> memref<50xi32, #tpu.memory_space<vmem>>
      %dma_wait3A_276 = arith.constant 0 : i32
      %dma_wait3A_277 = arith.constant 0 : i32
      %dma_wait3A_278 = tpu.memref_slice %arg3[%dma_wait3A_276, %dma_wait3A_277] : memref<30522x768xf32, #tpu.memory_space<hbm>> -> memref<30522x768xf32, #tpu.memory_space<hbm>>
      tpu.wait_indirect_dma semaphore(%arg12 : memref<!tpu.dma_semaphore, #tpu.memory_space<semaphore_mem>>) src(%dma_wait3A_278 : memref<30522x768xf32, #tpu.memory_space<hbm>>) dst(%arg8 : memref<50x768xf32, #tpu.memory_space<vmem>>)
      %gt3A_279 = arith.constant 0 : i32
      %gt3A_280 = arith.cmpi sgt, %scan3A_51, %gt3A_279 : i32
      %convert_element_type3A_281 = arith.extui %gt3A_280 : i1 to i32
      %cond3A_282 = arith.constant 0 : i32
      %cond3A_283 = arith.cmpi ne, %convert_element_type3A_281, %cond3A_282 : i32
      scf.if %cond3A_283 {
        %sub3A_466 = arith.constant 2 : i32
        %sub3A_467 = arith.subi %add3A_55, %sub3A_466 : i32
        %add3A_468 = arith.addi %mul3A_2, %sub3A_467 : i32
        %dma_wait3A_469 = arith.constant 1 : i32
        %dma_wait3A_470 = arith.constant 0 : i32
        %dma_wait3A_471 = tpu.memref_slice %arg10[%dma_wait3A_469, %dma_wait3A_470] : memref<2x768xf32, #tpu.memory_space<vmem>> -> memref<1x768xf32, #tpu.memory_space<vmem>>
        %dma_wait3A_472 = tpu.memref_squeeze %dma_wait3A_471 : memref<1x768xf32, #tpu.memory_space<vmem>> -> memref<768xf32, #tpu.memory_space<vmem>>
        %dma_wait3A_473 = arith.constant 0 : i32
        %dma_wait3A_474 = tpu.memref_slice %arg5[%add3A_468, %dma_wait3A_473] : memref<4096x768xf32, #tpu.memory_space<hbm>> -> memref<1x768xf32, #tpu.memory_space<hbm>>
        %dma_wait3A_475 = tpu.memref_squeeze %dma_wait3A_474 : memref<1x768xf32, #tpu.memory_space<hbm>> -> memref<768xf32, #tpu.memory_space<hbm>>
        %dma_wait3A_476 = arith.constant 0 : i32
        %dma_wait3A_477 = tpu.memref_slice %arg5[%add3A_468, %dma_wait3A_476] : memref<4096x768xf32, #tpu.memory_space<hbm>> -> memref<1x768xf32, #tpu.memory_space<hbm>>
        %dma_wait3A_478 = tpu.memref_squeeze %dma_wait3A_477 : memref<1x768xf32, #tpu.memory_space<hbm>> -> memref<768xf32, #tpu.memory_space<hbm>>
        %dma_wait3A_479 = arith.constant 0 : i32
        %dma_wait3A_480 = tpu.memref_slice %arg10[%dma_wait3A_469, %dma_wait3A_479] : memref<2x768xf32, #tpu.memory_space<vmem>> -> memref<1x768xf32, #tpu.memory_space<vmem>>
        %dma_wait3A_481 = tpu.memref_squeeze %dma_wait3A_480 : memref<1x768xf32, #tpu.memory_space<vmem>> -> memref<768xf32, #tpu.memory_space<vmem>>
        tpu.wait_dma2 semaphore(%arg16 : memref<!tpu.dma_semaphore, #tpu.memory_space<semaphore_mem>>) src(%dma_wait3A_481 : memref<768xf32, #tpu.memory_space<vmem>>) dst(%dma_wait3A_478 : memref<768xf32, #tpu.memory_space<hbm>>)
      } else {
      }
      %get3A_284 = arith.constant 1 : i32
      %get3A_285 = arith.index_cast %get3A_284 : i32 to index
      %get3A_286 = arith.constant 0 : index
      %get3A_287 = tpu.vector_load %arg9[%get3A_285, %get3A_286] {strides = array<i32>} : memref<2x64xf32, #tpu.memory_space<vmem>>, vector<16xf32>,
      %get3A_288 = arith.constant 1 : i32
      %get3A_289 = arith.index_cast %get3A_288 : i32 to index
      %get3A_290 = arith.constant 16 : index
      %get3A_291 = tpu.vector_load %arg9[%get3A_289, %get3A_290] {strides = array<i32>} : memref<2x64xf32, #tpu.memory_space<vmem>>, vector<16xf32>,
      %get3A_292 = arith.constant 1 : i32
      %get3A_293 = arith.index_cast %get3A_292 : i32 to index
      %get3A_294 = arith.constant 32 : index
      %get3A_295 = tpu.vector_load %arg9[%get3A_293, %get3A_294] {strides = array<i32>} : memref<2x64xf32, #tpu.memory_space<vmem>>, vector<16xf32>,
      %get3A_296 = arith.constant 1 : i32
      %get3A_297 = arith.index_cast %get3A_296 : i32 to index
      %get3A_298 = arith.constant 48 : index
      %get3A_299 = tpu.vector_load %arg9[%get3A_297, %get3A_298] {strides = array<i32>} : memref<2x64xf32, #tpu.memory_space<vmem>>, vector<16xf32>,
      %lt3A_300 = arith.constant 2 : i32
      %lt3A_301 = vector.broadcast %lt3A_300 : i32 to vector<16xi32>
      %lt3A_302 = arith.cmpi slt, %iota3A, %lt3A_301 : vector<16xi32>
      %jit3A_303 = arith.constant -1.000000e+30 : f32
      %broadcast_in_dim3A_304 = vector.broadcast %jit3A_303 : f32 to vector<16xf32>
      %select_n3A_305 = arith.select %lt3A_302, %get3A_299, %broadcast_in_dim3A_304 : vector<16xi1>, vector<16xf32>
      %max3A_306 = arith.maximumf %get3A_287, %get3A_291 : vector<16xf32>
      %max3A_307 = arith.maximumf %get3A_295, %select_n3A_305 : vector<16xf32>
      %max3A_308 = arith.maximumf %max3A_306, %max3A_307 : vector<16xf32>
      %reduce_max3A_309 = arith.constant true
      %reduce_max3A_310 = vector.broadcast %reduce_max3A_309 : i1 to vector<16xi1>
      %reduce_max3A_311 = tpu.scan <max>, %max3A_308 masked %reduce_max3A_310 : vector<16xf32>, vector<16xi1> -> vector<16xf32>
      %reduce_max3A_312 = vector.extract %reduce_max3A_311[15] : f32 from vector<16xf32>
      %sub3A_313 = vector.broadcast %reduce_max3A_312 : f32 to vector<16xf32>
      %sub3A_314 = arith.subf %get3A_287, %sub3A_313 : vector<16xf32>
      %exp3A_315 = math.exp %sub3A_314 : vector<16xf32>
      %sub3A_316 = vector.broadcast %reduce_max3A_312 : f32 to vector<16xf32>
      %sub3A_317 = arith.subf %get3A_291, %sub3A_316 : vector<16xf32>
      %exp3A_318 = math.exp %sub3A_317 : vector<16xf32>
      %sub3A_319 = vector.broadcast %reduce_max3A_312 : f32 to vector<16xf32>
      %sub3A_320 = arith.subf %get3A_295, %sub3A_319 : vector<16xf32>
      %exp3A_321 = math.exp %sub3A_320 : vector<16xf32>
      %sub3A_322 = vector.broadcast %reduce_max3A_312 : f32 to vector<16xf32>
      %sub3A_323 = arith.subf %select_n3A_305, %sub3A_322 : vector<16xf32>
      %exp3A_324 = math.exp %sub3A_323 : vector<16xf32>
      %lt3A_325 = arith.constant 2 : i32
      %lt3A_326 = vector.broadcast %lt3A_325 : i32 to vector<16xi32>
      %lt3A_327 = arith.cmpi slt, %iota3A, %lt3A_326 : vector<16xi32>
      %jit3A_328 = arith.constant 0.000000e+00 : f32
      %broadcast_in_dim3A_329 = vector.broadcast %jit3A_328 : f32 to vector<16xf32>
      %select_n3A_330 = arith.select %lt3A_327, %exp3A_324, %broadcast_in_dim3A_329 : vector<16xi1>, vector<16xf32>
      %add3A_331 = arith.addf %exp3A_315, %exp3A_318 : vector<16xf32>
      %add3A_332 = arith.addf %add3A_331, %exp3A_321 : vector<16xf32>
      %add3A_333 = arith.addf %add3A_332, %select_n3A_330 : vector<16xf32>
      %reduce_sum3A_334 = arith.constant true
      %reduce_sum3A_335 = vector.broadcast %reduce_sum3A_334 : i1 to vector<16xi1>
      %reduce_sum3A_336 = tpu.scan <sum>, %add3A_333 masked %reduce_sum3A_335 : vector<16xf32>, vector<16xi1> -> vector<16xf32>
      %reduce_sum3A_337 = vector.extract %reduce_sum3A_336[15] : f32 from vector<16xf32>
      %broadcast_in_dim3A_338 = arith.constant 1.000000e+00 : f32
      %broadcast_in_dim3A_339 = vector.broadcast %broadcast_in_dim3A_338 : f32 to vector<16xf32>
      %broadcast_in_dim3A_340 = vector.broadcast %reduce_sum3A_337 : f32 to vector<16xf32>
      %div3A_341 = arith.divf %broadcast_in_dim3A_339, %broadcast_in_dim3A_340 : vector<16xf32>
      %mul3A_342 = arith.mulf %exp3A_315, %div3A_341 : vector<16xf32>
      %mul3A_343 = arith.mulf %exp3A_318, %div3A_341 : vector<16xf32>
      %mul3A_344 = arith.mulf %exp3A_321, %div3A_341 : vector<16xf32>
      %mul3A_345 = arith.mulf %select_n3A_330, %div3A_341 : vector<16xf32>
      %slice3A_346 = vector.extract_strided_slice %mul3A_342 {offsets = [0], sizes = [1], strides = [1]} : vector<16xf32> to vector<1xf32>
      %squeeze3A_347 = vector.extract %slice3A_346[0] : f32 from vector<1xf32>
      %slice3A_348 = vector.extract_strided_slice %mul3A_342 {offsets = [1], sizes = [1], strides = [1]} : vector<16xf32> to vector<1xf32>
      %squeeze3A_349 = vector.extract %slice3A_348[0] : f32 from vector<1xf32>
      %slice3A_350 = vector.extract_strided_slice %mul3A_342 {offsets = [2], sizes = [1], strides = [1]} : vector<16xf32> to vector<1xf32>
      %squeeze3A_351 = vector.extract %slice3A_350[0] : f32 from vector<1xf32>
      %slice3A_352 = vector.extract_strided_slice %mul3A_342 {offsets = [3], sizes = [1], strides = [1]} : vector<16xf32> to vector<1xf32>
      %squeeze3A_353 = vector.extract %slice3A_352[0] : f32 from vector<1xf32>
      %slice3A_354 = vector.extract_strided_slice %mul3A_342 {offsets = [4], sizes = [1], strides = [1]} : vector<16xf32> to vector<1xf32>
      %squeeze3A_355 = vector.extract %slice3A_354[0] : f32 from vector<1xf32>
      %slice3A_356 = vector.extract_strided_slice %mul3A_342 {offsets = [5], sizes = [1], strides = [1]} : vector<16xf32> to vector<1xf32>
      %squeeze3A_357 = vector.extract %slice3A_356[0] : f32 from vector<1xf32>
      %slice3A_358 = vector.extract_strided_slice %mul3A_342 {offsets = [6], sizes = [1], strides = [1]} : vector<16xf32> to vector<1xf32>
      %squeeze3A_359 = vector.extract %slice3A_358[0] : f32 from vector<1xf32>
      %slice3A_360 = vector.extract_strided_slice %mul3A_342 {offsets = [7], sizes = [1], strides = [1]} : vector<16xf32> to vector<1xf32>
      %squeeze3A_361 = vector.extract %slice3A_360[0] : f32 from vector<1xf32>
      %slice3A_362 = vector.extract_strided_slice %mul3A_342 {offsets = [8], sizes = [1], strides = [1]} : vector<16xf32> to vector<1xf32>
      %squeeze3A_363 = vector.extract %slice3A_362[0] : f32 from vector<1xf32>
      %slice3A_364 = vector.extract_strided_slice %mul3A_342 {offsets = [9], sizes = [1], strides = [1]} : vector<16xf32> to vector<1xf32>
      %squeeze3A_365 = vector.extract %slice3A_364[0] : f32 from vector<1xf32>
      %slice3A_366 = vector.extract_strided_slice %mul3A_342 {offsets = [10], sizes = [1], strides = [1]} : vector<16xf32> to vector<1xf32>
      %squeeze3A_367 = vector.extract %slice3A_366[0] : f32 from vector<1xf32>
      %slice3A_368 = vector.extract_strided_slice %mul3A_342 {offsets = [11], sizes = [1], strides = [1]} : vector<16xf32> to vector<1xf32>
      %squeeze3A_369 = vector.extract %slice3A_368[0] : f32 from vector<1xf32>
      %slice3A_370 = vector.extract_strided_slice %mul3A_342 {offsets = [12], sizes = [1], strides = [1]} : vector<16xf32> to vector<1xf32>
      %squeeze3A_371 = vector.extract %slice3A_370[0] : f32 from vector<1xf32>
      %slice3A_372 = vector.extract_strided_slice %mul3A_342 {offsets = [13], sizes = [1], strides = [1]} : vector<16xf32> to vector<1xf32>
      %squeeze3A_373 = vector.extract %slice3A_372[0] : f32 from vector<1xf32>
      %slice3A_374 = vector.extract_strided_slice %mul3A_342 {offsets = [14], sizes = [1], strides = [1]} : vector<16xf32> to vector<1xf32>
      %squeeze3A_375 = vector.extract %slice3A_374[0] : f32 from vector<1xf32>
      %slice3A_376 = vector.extract_strided_slice %mul3A_342 {offsets = [15], sizes = [1], strides = [1]} : vector<16xf32> to vector<1xf32>
      %squeeze3A_377 = vector.extract %slice3A_376[0] : f32 from vector<1xf32>
      %slice3A_378 = vector.extract_strided_slice %mul3A_343 {offsets = [0], sizes = [1], strides = [1]} : vector<16xf32> to vector<1xf32>
      %squeeze3A_379 = vector.extract %slice3A_378[0] : f32 from vector<1xf32>
      %slice3A_380 = vector.extract_strided_slice %mul3A_343 {offsets = [1], sizes = [1], strides = [1]} : vector<16xf32> to vector<1xf32>
      %squeeze3A_381 = vector.extract %slice3A_380[0] : f32 from vector<1xf32>
      %slice3A_382 = vector.extract_strided_slice %mul3A_343 {offsets = [2], sizes = [1], strides = [1]} : vector<16xf32> to vector<1xf32>
      %squeeze3A_383 = vector.extract %slice3A_382[0] : f32 from vector<1xf32>
      %slice3A_384 = vector.extract_strided_slice %mul3A_343 {offsets = [3], sizes = [1], strides = [1]} : vector<16xf32> to vector<1xf32>
      %squeeze3A_385 = vector.extract %slice3A_384[0] : f32 from vector<1xf32>
      %slice3A_386 = vector.extract_strided_slice %mul3A_343 {offsets = [4], sizes = [1], strides = [1]} : vector<16xf32> to vector<1xf32>
      %squeeze3A_387 = vector.extract %slice3A_386[0] : f32 from vector<1xf32>
      %slice3A_388 = vector.extract_strided_slice %mul3A_343 {offsets = [5], sizes = [1], strides = [1]} : vector<16xf32> to vector<1xf32>
      %squeeze3A_389 = vector.extract %slice3A_388[0] : f32 from vector<1xf32>
      %slice3A_390 = vector.extract_strided_slice %mul3A_343 {offsets = [6], sizes = [1], strides = [1]} : vector<16xf32> to vector<1xf32>
      %squeeze3A_391 = vector.extract %slice3A_390[0] : f32 from vector<1xf32>
      %slice3A_392 = vector.extract_strided_slice %mul3A_343 {offsets = [7], sizes = [1], strides = [1]} : vector<16xf32> to vector<1xf32>
      %squeeze3A_393 = vector.extract %slice3A_392[0] : f32 from vector<1xf32>
      %slice3A_394 = vector.extract_strided_slice %mul3A_343 {offsets = [8], sizes = [1], strides = [1]} : vector<16xf32> to vector<1xf32>
      %squeeze3A_395 = vector.extract %slice3A_394[0] : f32 from vector<1xf32>
      %slice3A_396 = vector.extract_strided_slice %mul3A_343 {offsets = [9], sizes = [1], strides = [1]} : vector<16xf32> to vector<1xf32>
      %squeeze3A_397 = vector.extract %slice3A_396[0] : f32 from vector<1xf32>
      %slice3A_398 = vector.extract_strided_slice %mul3A_343 {offsets = [10], sizes = [1], strides = [1]} : vector<16xf32> to vector<1xf32>
      %squeeze3A_399 = vector.extract %slice3A_398[0] : f32 from vector<1xf32>
      %slice3A_400 = vector.extract_strided_slice %mul3A_343 {offsets = [11], sizes = [1], strides = [1]} : vector<16xf32> to vector<1xf32>
      %squeeze3A_401 = vector.extract %slice3A_400[0] : f32 from vector<1xf32>
      %slice3A_402 = vector.extract_strided_slice %mul3A_343 {offsets = [12], sizes = [1], strides = [1]} : vector<16xf32> to vector<1xf32>
      %squeeze3A_403 = vector.extract %slice3A_402[0] : f32 from vector<1xf32>
      %slice3A_404 = vector.extract_strided_slice %mul3A_343 {offsets = [13], sizes = [1], strides = [1]} : vector<16xf32> to vector<1xf32>
      %squeeze3A_405 = vector.extract %slice3A_404[0] : f32 from vector<1xf32>
      %slice3A_406 = vector.extract_strided_slice %mul3A_343 {offsets = [14], sizes = [1], strides = [1]} : vector<16xf32> to vector<1xf32>
      %squeeze3A_407 = vector.extract %slice3A_406[0] : f32 from vector<1xf32>
      %slice3A_408 = vector.extract_strided_slice %mul3A_343 {offsets = [15], sizes = [1], strides = [1]} : vector<16xf32> to vector<1xf32>
      %squeeze3A_409 = vector.extract %slice3A_408[0] : f32 from vector<1xf32>
      %slice3A_410 = vector.extract_strided_slice %mul3A_344 {offsets = [0], sizes = [1], strides = [1]} : vector<16xf32> to vector<1xf32>
      %squeeze3A_411 = vector.extract %slice3A_410[0] : f32 from vector<1xf32>
      %slice3A_412 = vector.extract_strided_slice %mul3A_344 {offsets = [1], sizes = [1], strides = [1]} : vector<16xf32> to vector<1xf32>
      %squeeze3A_413 = vector.extract %slice3A_412[0] : f32 from vector<1xf32>
      %slice3A_414 = vector.extract_strided_slice %mul3A_344 {offsets = [2], sizes = [1], strides = [1]} : vector<16xf32> to vector<1xf32>
      %squeeze3A_415 = vector.extract %slice3A_414[0] : f32 from vector<1xf32>
      %slice3A_416 = vector.extract_strided_slice %mul3A_344 {offsets = [3], sizes = [1], strides = [1]} : vector<16xf32> to vector<1xf32>
      %squeeze3A_417 = vector.extract %slice3A_416[0] : f32 from vector<1xf32>
      %slice3A_418 = vector.extract_strided_slice %mul3A_344 {offsets = [4], sizes = [1], strides = [1]} : vector<16xf32> to vector<1xf32>
      %squeeze3A_419 = vector.extract %slice3A_418[0] : f32 from vector<1xf32>
      %slice3A_420 = vector.extract_strided_slice %mul3A_344 {offsets = [5], sizes = [1], strides = [1]} : vector<16xf32> to vector<1xf32>
      %squeeze3A_421 = vector.extract %slice3A_420[0] : f32 from vector<1xf32>
      %slice3A_422 = vector.extract_strided_slice %mul3A_344 {offsets = [6], sizes = [1], strides = [1]} : vector<16xf32> to vector<1xf32>
      %squeeze3A_423 = vector.extract %slice3A_422[0] : f32 from vector<1xf32>
      %slice3A_424 = vector.extract_strided_slice %mul3A_344 {offsets = [7], sizes = [1], strides = [1]} : vector<16xf32> to vector<1xf32>
      %squeeze3A_425 = vector.extract %slice3A_424[0] : f32 from vector<1xf32>
      %slice3A_426 = vector.extract_strided_slice %mul3A_344 {offsets = [8], sizes = [1], strides = [1]} : vector<16xf32> to vector<1xf32>
      %squeeze3A_427 = vector.extract %slice3A_426[0] : f32 from vector<1xf32>
      %slice3A_428 = vector.extract_strided_slice %mul3A_344 {offsets = [9], sizes = [1], strides = [1]} : vector<16xf32> to vector<1xf32>
      %squeeze3A_429 = vector.extract %slice3A_428[0] : f32 from vector<1xf32>
      %slice3A_430 = vector.extract_strided_slice %mul3A_344 {offsets = [10], sizes = [1], strides = [1]} : vector<16xf32> to vector<1xf32>
      %squeeze3A_431 = vector.extract %slice3A_430[0] : f32 from vector<1xf32>
      %slice3A_432 = vector.extract_strided_slice %mul3A_344 {offsets = [11], sizes = [1], strides = [1]} : vector<16xf32> to vector<1xf32>
      %squeeze3A_433 = vector.extract %slice3A_432[0] : f32 from vector<1xf32>
      %slice3A_434 = vector.extract_strided_slice %mul3A_344 {offsets = [12], sizes = [1], strides = [1]} : vector<16xf32> to vector<1xf32>
      %squeeze3A_435 = vector.extract %slice3A_434[0] : f32 from vector<1xf32>
      %slice3A_436 = vector.extract_strided_slice %mul3A_344 {offsets = [13], sizes = [1], strides = [1]} : vector<16xf32> to vector<1xf32>
      %squeeze3A_437 = vector.extract %slice3A_436[0] : f32 from vector<1xf32>
      %slice3A_438 = vector.extract_strided_slice %mul3A_344 {offsets = [14], sizes = [1], strides = [1]} : vector<16xf32> to vector<1xf32>
      %squeeze3A_439 = vector.extract %slice3A_438[0] : f32 from vector<1xf32>
      %slice3A_440 = vector.extract_strided_slice %mul3A_344 {offsets = [15], sizes = [1], strides = [1]} : vector<16xf32> to vector<1xf32>
      %squeeze3A_441 = vector.extract %slice3A_440[0] : f32 from vector<1xf32>
      %slice3A_442 = vector.extract_strided_slice %mul3A_345 {offsets = [0], sizes = [1], strides = [1]} : vector<16xf32> to vector<1xf32>
      %squeeze3A_443 = vector.extract %slice3A_442[0] : f32 from vector<1xf32>
      %slice3A_444 = vector.extract_strided_slice %mul3A_345 {offsets = [1], sizes = [1], strides = [1]} : vector<16xf32> to vector<1xf32>
      %squeeze3A_445 = vector.extract %slice3A_444[0] : f32 from vector<1xf32>
      %scan3A_446 = arith.constant 0 : i32
      %scan3A_447 = arith.constant 0 : i32
      %scan3A_448 = arith.constant 48 : i32
      %scan3A_449 = arith.addi %scan3A_447, %scan3A_448 : i32
      %scan3A_450 = arith.constant 1 : i32
      scf.for %scan3A_466 = %scan3A_447 to %scan3A_449 step %scan3A_450  : i32 {
        %mul3A_467 = arith.constant 16 : i32
        %mul3A_468 = arith.muli %scan3A_466, %mul3A_467 : i32
        %broadcast_in_dim3A_469 = arith.constant 0.000000e+00 : f32
        %broadcast_in_dim3A_470 = vector.broadcast %broadcast_in_dim3A_469 : f32 to vector<16xf32>
        %get3A_471 = arith.constant 0 : i32
        %get3A_472 = arith.index_cast %get3A_471 : i32 to index
        %get3A_473 = arith.index_cast %mul3A_468 : i32 to index
        %get3A_474 = tpu.vector_load %arg8[%get3A_472, %get3A_473] {strides = array<i32>} : memref<50x768xf32, #tpu.memory_space<vmem>>, vector<16xf32>,
        %mul3A_475 = vector.broadcast %squeeze3A_347 : f32 to vector<16xf32>
        %mul3A_476 = arith.mulf %mul3A_475, %get3A_474 : vector<16xf32>
        %add3A_477 = arith.addf %broadcast_in_dim3A_470, %mul3A_476 : vector<16xf32>
        %get3A_478 = arith.constant 1 : i32
        %get3A_479 = arith.index_cast %get3A_478 : i32 to index
        %get3A_480 = arith.index_cast %mul3A_468 : i32 to index
        %get3A_481 = tpu.vector_load %arg8[%get3A_479, %get3A_480] {strides = array<i32>} : memref<50x768xf32, #tpu.memory_space<vmem>>, vector<16xf32>,
        %mul3A_482 = vector.broadcast %squeeze3A_349 : f32 to vector<16xf32>
        %mul3A_483 = arith.mulf %mul3A_482, %get3A_481 : vector<16xf32>
        %add3A_484 = arith.addf %add3A_477, %mul3A_483 : vector<16xf32>
        %get3A_485 = arith.constant 2 : i32
        %get3A_486 = arith.index_cast %get3A_485 : i32 to index
        %get3A_487 = arith.index_cast %mul3A_468 : i32 to index
        %get3A_488 = tpu.vector_load %arg8[%get3A_486, %get3A_487] {strides = array<i32>} : memref<50x768xf32, #tpu.memory_space<vmem>>, vector<16xf32>,
        %mul3A_489 = vector.broadcast %squeeze3A_351 : f32 to vector<16xf32>
        %mul3A_490 = arith.mulf %mul3A_489, %get3A_488 : vector<16xf32>
        %add3A_491 = arith.addf %add3A_484, %mul3A_490 : vector<16xf32>
        %get3A_492 = arith.constant 3 : i32
        %get3A_493 = arith.index_cast %get3A_492 : i32 to index
        %get3A_494 = arith.index_cast %mul3A_468 : i32 to index
        %get3A_495 = tpu.vector_load %arg8[%get3A_493, %get3A_494] {strides = array<i32>} : memref<50x768xf32, #tpu.memory_space<vmem>>, vector<16xf32>,
        %mul3A_496 = vector.broadcast %squeeze3A_353 : f32 to vector<16xf32>
        %mul3A_497 = arith.mulf %mul3A_496, %get3A_495 : vector<16xf32>
        %add3A_498 = arith.addf %add3A_491, %mul3A_497 : vector<16xf32>
        %get3A_499 = arith.constant 4 : i32
        %get3A_500 = arith.index_cast %get3A_499 : i32 to index
        %get3A_501 = arith.index_cast %mul3A_468 : i32 to index
        %get3A_502 = tpu.vector_load %arg8[%get3A_500, %get3A_501] {strides = array<i32>} : memref<50x768xf32, #tpu.memory_space<vmem>>, vector<16xf32>,
        %mul3A_503 = vector.broadcast %squeeze3A_355 : f32 to vector<16xf32>
        %mul3A_504 = arith.mulf %mul3A_503, %get3A_502 : vector<16xf32>
        %add3A_505 = arith.addf %add3A_498, %mul3A_504 : vector<16xf32>
        %get3A_506 = arith.constant 5 : i32
        %get3A_507 = arith.index_cast %get3A_506 : i32 to index
        %get3A_508 = arith.index_cast %mul3A_468 : i32 to index
        %get3A_509 = tpu.vector_load %arg8[%get3A_507, %get3A_508] {strides = array<i32>} : memref<50x768xf32, #tpu.memory_space<vmem>>, vector<16xf32>,
        %mul3A_510 = vector.broadcast %squeeze3A_357 : f32 to vector<16xf32>
        %mul3A_511 = arith.mulf %mul3A_510, %get3A_509 : vector<16xf32>
        %add3A_512 = arith.addf %add3A_505, %mul3A_511 : vector<16xf32>
        %get3A_513 = arith.constant 6 : i32
        %get3A_514 = arith.index_cast %get3A_513 : i32 to index
        %get3A_515 = arith.index_cast %mul3A_468 : i32 to index
        %get3A_516 = tpu.vector_load %arg8[%get3A_514, %get3A_515] {strides = array<i32>} : memref<50x768xf32, #tpu.memory_space<vmem>>, vector<16xf32>,
        %mul3A_517 = vector.broadcast %squeeze3A_359 : f32 to vector<16xf32>
        %mul3A_518 = arith.mulf %mul3A_517, %get3A_516 : vector<16xf32>
        %add3A_519 = arith.addf %add3A_512, %mul3A_518 : vector<16xf32>
        %get3A_520 = arith.constant 7 : i32
        %get3A_521 = arith.index_cast %get3A_520 : i32 to index
        %get3A_522 = arith.index_cast %mul3A_468 : i32 to index
        %get3A_523 = tpu.vector_load %arg8[%get3A_521, %get3A_522] {strides = array<i32>} : memref<50x768xf32, #tpu.memory_space<vmem>>, vector<16xf32>,
        %mul3A_524 = vector.broadcast %squeeze3A_361 : f32 to vector<16xf32>
        %mul3A_525 = arith.mulf %mul3A_524, %get3A_523 : vector<16xf32>
        %add3A_526 = arith.addf %add3A_519, %mul3A_525 : vector<16xf32>
        %get3A_527 = arith.constant 8 : i32
        %get3A_528 = arith.index_cast %get3A_527 : i32 to index
        %get3A_529 = arith.index_cast %mul3A_468 : i32 to index
        %get3A_530 = tpu.vector_load %arg8[%get3A_528, %get3A_529] {strides = array<i32>} : memref<50x768xf32, #tpu.memory_space<vmem>>, vector<16xf32>,
        %mul3A_531 = vector.broadcast %squeeze3A_363 : f32 to vector<16xf32>
        %mul3A_532 = arith.mulf %mul3A_531, %get3A_530 : vector<16xf32>
        %add3A_533 = arith.addf %add3A_526, %mul3A_532 : vector<16xf32>
        %get3A_534 = arith.constant 9 : i32
        %get3A_535 = arith.index_cast %get3A_534 : i32 to index
        %get3A_536 = arith.index_cast %mul3A_468 : i32 to index
        %get3A_537 = tpu.vector_load %arg8[%get3A_535, %get3A_536] {strides = array<i32>} : memref<50x768xf32, #tpu.memory_space<vmem>>, vector<16xf32>,
        %mul3A_538 = vector.broadcast %squeeze3A_365 : f32 to vector<16xf32>
        %mul3A_539 = arith.mulf %mul3A_538, %get3A_537 : vector<16xf32>
        %add3A_540 = arith.addf %add3A_533, %mul3A_539 : vector<16xf32>
        %get3A_541 = arith.constant 10 : i32
        %get3A_542 = arith.index_cast %get3A_541 : i32 to index
        %get3A_543 = arith.index_cast %mul3A_468 : i32 to index
        %get3A_544 = tpu.vector_load %arg8[%get3A_542, %get3A_543] {strides = array<i32>} : memref<50x768xf32, #tpu.memory_space<vmem>>, vector<16xf32>,
        %mul3A_545 = vector.broadcast %squeeze3A_367 : f32 to vector<16xf32>
        %mul3A_546 = arith.mulf %mul3A_545, %get3A_544 : vector<16xf32>
        %add3A_547 = arith.addf %add3A_540, %mul3A_546 : vector<16xf32>
        %get3A_548 = arith.constant 11 : i32
        %get3A_549 = arith.index_cast %get3A_548 : i32 to index
        %get3A_550 = arith.index_cast %mul3A_468 : i32 to index
        %get3A_551 = tpu.vector_load %arg8[%get3A_549, %get3A_550] {strides = array<i32>} : memref<50x768xf32, #tpu.memory_space<vmem>>, vector<16xf32>,
        %mul3A_552 = vector.broadcast %squeeze3A_369 : f32 to vector<16xf32>
        %mul3A_553 = arith.mulf %mul3A_552, %get3A_551 : vector<16xf32>
        %add3A_554 = arith.addf %add3A_547, %mul3A_553 : vector<16xf32>
        %get3A_555 = arith.constant 12 : i32
        %get3A_556 = arith.index_cast %get3A_555 : i32 to index
        %get3A_557 = arith.index_cast %mul3A_468 : i32 to index
        %get3A_558 = tpu.vector_load %arg8[%get3A_556, %get3A_557] {strides = array<i32>} : memref<50x768xf32, #tpu.memory_space<vmem>>, vector<16xf32>,
        %mul3A_559 = vector.broadcast %squeeze3A_371 : f32 to vector<16xf32>
        %mul3A_560 = arith.mulf %mul3A_559, %get3A_558 : vector<16xf32>
        %add3A_561 = arith.addf %add3A_554, %mul3A_560 : vector<16xf32>
        %get3A_562 = arith.constant 13 : i32
        %get3A_563 = arith.index_cast %get3A_562 : i32 to index
        %get3A_564 = arith.index_cast %mul3A_468 : i32 to index
        %get3A_565 = tpu.vector_load %arg8[%get3A_563, %get3A_564] {strides = array<i32>} : memref<50x768xf32, #tpu.memory_space<vmem>>, vector<16xf32>,
        %mul3A_566 = vector.broadcast %squeeze3A_373 : f32 to vector<16xf32>
        %mul3A_567 = arith.mulf %mul3A_566, %get3A_565 : vector<16xf32>
        %add3A_568 = arith.addf %add3A_561, %mul3A_567 : vector<16xf32>
        %get3A_569 = arith.constant 14 : i32
        %get3A_570 = arith.index_cast %get3A_569 : i32 to index
        %get3A_571 = arith.index_cast %mul3A_468 : i32 to index
        %get3A_572 = tpu.vector_load %arg8[%get3A_570, %get3A_571] {strides = array<i32>} : memref<50x768xf32, #tpu.memory_space<vmem>>, vector<16xf32>,
        %mul3A_573 = vector.broadcast %squeeze3A_375 : f32 to vector<16xf32>
        %mul3A_574 = arith.mulf %mul3A_573, %get3A_572 : vector<16xf32>
        %add3A_575 = arith.addf %add3A_568, %mul3A_574 : vector<16xf32>
        %get3A_576 = arith.constant 15 : i32
        %get3A_577 = arith.index_cast %get3A_576 : i32 to index
        %get3A_578 = arith.index_cast %mul3A_468 : i32 to index
        %get3A_579 = tpu.vector_load %arg8[%get3A_577, %get3A_578] {strides = array<i32>} : memref<50x768xf32, #tpu.memory_space<vmem>>, vector<16xf32>,
        %mul3A_580 = vector.broadcast %squeeze3A_377 : f32 to vector<16xf32>
        %mul3A_581 = arith.mulf %mul3A_580, %get3A_579 : vector<16xf32>
        %add3A_582 = arith.addf %add3A_575, %mul3A_581 : vector<16xf32>
        %get3A_583 = arith.constant 16 : i32
        %get3A_584 = arith.index_cast %get3A_583 : i32 to index
        %get3A_585 = arith.index_cast %mul3A_468 : i32 to index
        %get3A_586 = tpu.vector_load %arg8[%get3A_584, %get3A_585] {strides = array<i32>} : memref<50x768xf32, #tpu.memory_space<vmem>>, vector<16xf32>,
        %mul3A_587 = vector.broadcast %squeeze3A_379 : f32 to vector<16xf32>
        %mul3A_588 = arith.mulf %mul3A_587, %get3A_586 : vector<16xf32>
        %add3A_589 = arith.addf %add3A_582, %mul3A_588 : vector<16xf32>
        %get3A_590 = arith.constant 17 : i32
        %get3A_591 = arith.index_cast %get3A_590 : i32 to index
        %get3A_592 = arith.index_cast %mul3A_468 : i32 to index
        %get3A_593 = tpu.vector_load %arg8[%get3A_591, %get3A_592] {strides = array<i32>} : memref<50x768xf32, #tpu.memory_space<vmem>>, vector<16xf32>,
        %mul3A_594 = vector.broadcast %squeeze3A_381 : f32 to vector<16xf32>
        %mul3A_595 = arith.mulf %mul3A_594, %get3A_593 : vector<16xf32>
        %add3A_596 = arith.addf %add3A_589, %mul3A_595 : vector<16xf32>
        %get3A_597 = arith.constant 18 : i32
        %get3A_598 = arith.index_cast %get3A_597 : i32 to index
        %get3A_599 = arith.index_cast %mul3A_468 : i32 to index
        %get3A_600 = tpu.vector_load %arg8[%get3A_598, %get3A_599] {strides = array<i32>} : memref<50x768xf32, #tpu.memory_space<vmem>>, vector<16xf32>,
        %mul3A_601 = vector.broadcast %squeeze3A_383 : f32 to vector<16xf32>
        %mul3A_602 = arith.mulf %mul3A_601, %get3A_600 : vector<16xf32>
        %add3A_603 = arith.addf %add3A_596, %mul3A_602 : vector<16xf32>
        %get3A_604 = arith.constant 19 : i32
        %get3A_605 = arith.index_cast %get3A_604 : i32 to index
        %get3A_606 = arith.index_cast %mul3A_468 : i32 to index
        %get3A_607 = tpu.vector_load %arg8[%get3A_605, %get3A_606] {strides = array<i32>} : memref<50x768xf32, #tpu.memory_space<vmem>>, vector<16xf32>,
        %mul3A_608 = vector.broadcast %squeeze3A_385 : f32 to vector<16xf32>
        %mul3A_609 = arith.mulf %mul3A_608, %get3A_607 : vector<16xf32>
        %add3A_610 = arith.addf %add3A_603, %mul3A_609 : vector<16xf32>
        %get3A_611 = arith.constant 20 : i32
        %get3A_612 = arith.index_cast %get3A_611 : i32 to index
        %get3A_613 = arith.index_cast %mul3A_468 : i32 to index
        %get3A_614 = tpu.vector_load %arg8[%get3A_612, %get3A_613] {strides = array<i32>} : memref<50x768xf32, #tpu.memory_space<vmem>>, vector<16xf32>,
        %mul3A_615 = vector.broadcast %squeeze3A_387 : f32 to vector<16xf32>
        %mul3A_616 = arith.mulf %mul3A_615, %get3A_614 : vector<16xf32>
        %add3A_617 = arith.addf %add3A_610, %mul3A_616 : vector<16xf32>
        %get3A_618 = arith.constant 21 : i32
        %get3A_619 = arith.index_cast %get3A_618 : i32 to index
        %get3A_620 = arith.index_cast %mul3A_468 : i32 to index
        %get3A_621 = tpu.vector_load %arg8[%get3A_619, %get3A_620] {strides = array<i32>} : memref<50x768xf32, #tpu.memory_space<vmem>>, vector<16xf32>,
        %mul3A_622 = vector.broadcast %squeeze3A_389 : f32 to vector<16xf32>
        %mul3A_623 = arith.mulf %mul3A_622, %get3A_621 : vector<16xf32>
        %add3A_624 = arith.addf %add3A_617, %mul3A_623 : vector<16xf32>
        %get3A_625 = arith.constant 22 : i32
        %get3A_626 = arith.index_cast %get3A_625 : i32 to index
        %get3A_627 = arith.index_cast %mul3A_468 : i32 to index
        %get3A_628 = tpu.vector_load %arg8[%get3A_626, %get3A_627] {strides = array<i32>} : memref<50x768xf32, #tpu.memory_space<vmem>>, vector<16xf32>,
        %mul3A_629 = vector.broadcast %squeeze3A_391 : f32 to vector<16xf32>
        %mul3A_630 = arith.mulf %mul3A_629, %get3A_628 : vector<16xf32>
        %add3A_631 = arith.addf %add3A_624, %mul3A_630 : vector<16xf32>
        %get3A_632 = arith.constant 23 : i32
        %get3A_633 = arith.index_cast %get3A_632 : i32 to index
        %get3A_634 = arith.index_cast %mul3A_468 : i32 to index
        %get3A_635 = tpu.vector_load %arg8[%get3A_633, %get3A_634] {strides = array<i32>} : memref<50x768xf32, #tpu.memory_space<vmem>>, vector<16xf32>,
        %mul3A_636 = vector.broadcast %squeeze3A_393 : f32 to vector<16xf32>
        %mul3A_637 = arith.mulf %mul3A_636, %get3A_635 : vector<16xf32>
        %add3A_638 = arith.addf %add3A_631, %mul3A_637 : vector<16xf32>
        %get3A_639 = arith.constant 24 : i32
        %get3A_640 = arith.index_cast %get3A_639 : i32 to index
        %get3A_641 = arith.index_cast %mul3A_468 : i32 to index
        %get3A_642 = tpu.vector_load %arg8[%get3A_640, %get3A_641] {strides = array<i32>} : memref<50x768xf32, #tpu.memory_space<vmem>>, vector<16xf32>,
        %mul3A_643 = vector.broadcast %squeeze3A_395 : f32 to vector<16xf32>
        %mul3A_644 = arith.mulf %mul3A_643, %get3A_642 : vector<16xf32>
        %add3A_645 = arith.addf %add3A_638, %mul3A_644 : vector<16xf32>
        %get3A_646 = arith.constant 25 : i32
        %get3A_647 = arith.index_cast %get3A_646 : i32 to index
        %get3A_648 = arith.index_cast %mul3A_468 : i32 to index
        %get3A_649 = tpu.vector_load %arg8[%get3A_647, %get3A_648] {strides = array<i32>} : memref<50x768xf32, #tpu.memory_space<vmem>>, vector<16xf32>,
        %mul3A_650 = vector.broadcast %squeeze3A_397 : f32 to vector<16xf32>
        %mul3A_651 = arith.mulf %mul3A_650, %get3A_649 : vector<16xf32>
        %add3A_652 = arith.addf %add3A_645, %mul3A_651 : vector<16xf32>
        %get3A_653 = arith.constant 26 : i32
        %get3A_654 = arith.index_cast %get3A_653 : i32 to index
        %get3A_655 = arith.index_cast %mul3A_468 : i32 to index
        %get3A_656 = tpu.vector_load %arg8[%get3A_654, %get3A_655] {strides = array<i32>} : memref<50x768xf32, #tpu.memory_space<vmem>>, vector<16xf32>,
        %mul3A_657 = vector.broadcast %squeeze3A_399 : f32 to vector<16xf32>
        %mul3A_658 = arith.mulf %mul3A_657, %get3A_656 : vector<16xf32>
        %add3A_659 = arith.addf %add3A_652, %mul3A_658 : vector<16xf32>
        %get3A_660 = arith.constant 27 : i32
        %get3A_661 = arith.index_cast %get3A_660 : i32 to index
        %get3A_662 = arith.index_cast %mul3A_468 : i32 to index
        %get3A_663 = tpu.vector_load %arg8[%get3A_661, %get3A_662] {strides = array<i32>} : memref<50x768xf32, #tpu.memory_space<vmem>>, vector<16xf32>,
        %mul3A_664 = vector.broadcast %squeeze3A_401 : f32 to vector<16xf32>
        %mul3A_665 = arith.mulf %mul3A_664, %get3A_663 : vector<16xf32>
        %add3A_666 = arith.addf %add3A_659, %mul3A_665 : vector<16xf32>
        %get3A_667 = arith.constant 28 : i32
        %get3A_668 = arith.index_cast %get3A_667 : i32 to index
        %get3A_669 = arith.index_cast %mul3A_468 : i32 to index
        %get3A_670 = tpu.vector_load %arg8[%get3A_668, %get3A_669] {strides = array<i32>} : memref<50x768xf32, #tpu.memory_space<vmem>>, vector<16xf32>,
        %mul3A_671 = vector.broadcast %squeeze3A_403 : f32 to vector<16xf32>
        %mul3A_672 = arith.mulf %mul3A_671, %get3A_670 : vector<16xf32>
        %add3A_673 = arith.addf %add3A_666, %mul3A_672 : vector<16xf32>
        %get3A_674 = arith.constant 29 : i32
        %get3A_675 = arith.index_cast %get3A_674 : i32 to index
        %get3A_676 = arith.index_cast %mul3A_468 : i32 to index
        %get3A_677 = tpu.vector_load %arg8[%get3A_675, %get3A_676] {strides = array<i32>} : memref<50x768xf32, #tpu.memory_space<vmem>>, vector<16xf32>,
        %mul3A_678 = vector.broadcast %squeeze3A_405 : f32 to vector<16xf32>
        %mul3A_679 = arith.mulf %mul3A_678, %get3A_677 : vector<16xf32>
        %add3A_680 = arith.addf %add3A_673, %mul3A_679 : vector<16xf32>
        %get3A_681 = arith.constant 30 : i32
        %get3A_682 = arith.index_cast %get3A_681 : i32 to index
        %get3A_683 = arith.index_cast %mul3A_468 : i32 to index
        %get3A_684 = tpu.vector_load %arg8[%get3A_682, %get3A_683] {strides = array<i32>} : memref<50x768xf32, #tpu.memory_space<vmem>>, vector<16xf32>,
        %mul3A_685 = vector.broadcast %squeeze3A_407 : f32 to vector<16xf32>
        %mul3A_686 = arith.mulf %mul3A_685, %get3A_684 : vector<16xf32>
        %add3A_687 = arith.addf %add3A_680, %mul3A_686 : vector<16xf32>
        %get3A_688 = arith.constant 31 : i32
        %get3A_689 = arith.index_cast %get3A_688 : i32 to index
        %get3A_690 = arith.index_cast %mul3A_468 : i32 to index
        %get3A_691 = tpu.vector_load %arg8[%get3A_689, %get3A_690] {strides = array<i32>} : memref<50x768xf32, #tpu.memory_space<vmem>>, vector<16xf32>,
        %mul3A_692 = vector.broadcast %squeeze3A_409 : f32 to vector<16xf32>
        %mul3A_693 = arith.mulf %mul3A_692, %get3A_691 : vector<16xf32>
        %add3A_694 = arith.addf %add3A_687, %mul3A_693 : vector<16xf32>
        %get3A_695 = arith.constant 32 : i32
        %get3A_696 = arith.index_cast %get3A_695 : i32 to index
        %get3A_697 = arith.index_cast %mul3A_468 : i32 to index
        %get3A_698 = tpu.vector_load %arg8[%get3A_696, %get3A_697] {strides = array<i32>} : memref<50x768xf32, #tpu.memory_space<vmem>>, vector<16xf32>,
        %mul3A_699 = vector.broadcast %squeeze3A_411 : f32 to vector<16xf32>
        %mul3A_700 = arith.mulf %mul3A_699, %get3A_698 : vector<16xf32>
        %add3A_701 = arith.addf %add3A_694, %mul3A_700 : vector<16xf32>
        %get3A_702 = arith.constant 33 : i32
        %get3A_703 = arith.index_cast %get3A_702 : i32 to index
        %get3A_704 = arith.index_cast %mul3A_468 : i32 to index
        %get3A_705 = tpu.vector_load %arg8[%get3A_703, %get3A_704] {strides = array<i32>} : memref<50x768xf32, #tpu.memory_space<vmem>>, vector<16xf32>,
        %mul3A_706 = vector.broadcast %squeeze3A_413 : f32 to vector<16xf32>
        %mul3A_707 = arith.mulf %mul3A_706, %get3A_705 : vector<16xf32>
        %add3A_708 = arith.addf %add3A_701, %mul3A_707 : vector<16xf32>
        %get3A_709 = arith.constant 34 : i32
        %get3A_710 = arith.index_cast %get3A_709 : i32 to index
        %get3A_711 = arith.index_cast %mul3A_468 : i32 to index
        %get3A_712 = tpu.vector_load %arg8[%get3A_710, %get3A_711] {strides = array<i32>} : memref<50x768xf32, #tpu.memory_space<vmem>>, vector<16xf32>,
        %mul3A_713 = vector.broadcast %squeeze3A_415 : f32 to vector<16xf32>
        %mul3A_714 = arith.mulf %mul3A_713, %get3A_712 : vector<16xf32>
        %add3A_715 = arith.addf %add3A_708, %mul3A_714 : vector<16xf32>
        %get3A_716 = arith.constant 35 : i32
        %get3A_717 = arith.index_cast %get3A_716 : i32 to index
        %get3A_718 = arith.index_cast %mul3A_468 : i32 to index
        %get3A_719 = tpu.vector_load %arg8[%get3A_717, %get3A_718] {strides = array<i32>} : memref<50x768xf32, #tpu.memory_space<vmem>>, vector<16xf32>,
        %mul3A_720 = vector.broadcast %squeeze3A_417 : f32 to vector<16xf32>
        %mul3A_721 = arith.mulf %mul3A_720, %get3A_719 : vector<16xf32>
        %add3A_722 = arith.addf %add3A_715, %mul3A_721 : vector<16xf32>
        %get3A_723 = arith.constant 36 : i32
        %get3A_724 = arith.index_cast %get3A_723 : i32 to index
        %get3A_725 = arith.index_cast %mul3A_468 : i32 to index
        %get3A_726 = tpu.vector_load %arg8[%get3A_724, %get3A_725] {strides = array<i32>} : memref<50x768xf32, #tpu.memory_space<vmem>>, vector<16xf32>,
        %mul3A_727 = vector.broadcast %squeeze3A_419 : f32 to vector<16xf32>
        %mul3A_728 = arith.mulf %mul3A_727, %get3A_726 : vector<16xf32>
        %add3A_729 = arith.addf %add3A_722, %mul3A_728 : vector<16xf32>
        %get3A_730 = arith.constant 37 : i32
        %get3A_731 = arith.index_cast %get3A_730 : i32 to index
        %get3A_732 = arith.index_cast %mul3A_468 : i32 to index
        %get3A_733 = tpu.vector_load %arg8[%get3A_731, %get3A_732] {strides = array<i32>} : memref<50x768xf32, #tpu.memory_space<vmem>>, vector<16xf32>,
        %mul3A_734 = vector.broadcast %squeeze3A_421 : f32 to vector<16xf32>
        %mul3A_735 = arith.mulf %mul3A_734, %get3A_733 : vector<16xf32>
        %add3A_736 = arith.addf %add3A_729, %mul3A_735 : vector<16xf32>
        %get3A_737 = arith.constant 38 : i32
        %get3A_738 = arith.index_cast %get3A_737 : i32 to index
        %get3A_739 = arith.index_cast %mul3A_468 : i32 to index
        %get3A_740 = tpu.vector_load %arg8[%get3A_738, %get3A_739] {strides = array<i32>} : memref<50x768xf32, #tpu.memory_space<vmem>>, vector<16xf32>,
        %mul3A_741 = vector.broadcast %squeeze3A_423 : f32 to vector<16xf32>
        %mul3A_742 = arith.mulf %mul3A_741, %get3A_740 : vector<16xf32>
        %add3A_743 = arith.addf %add3A_736, %mul3A_742 : vector<16xf32>
        %get3A_744 = arith.constant 39 : i32
        %get3A_745 = arith.index_cast %get3A_744 : i32 to index
        %get3A_746 = arith.index_cast %mul3A_468 : i32 to index
        %get3A_747 = tpu.vector_load %arg8[%get3A_745, %get3A_746] {strides = array<i32>} : memref<50x768xf32, #tpu.memory_space<vmem>>, vector<16xf32>,
        %mul3A_748 = vector.broadcast %squeeze3A_425 : f32 to vector<16xf32>
        %mul3A_749 = arith.mulf %mul3A_748, %get3A_747 : vector<16xf32>
        %add3A_750 = arith.addf %add3A_743, %mul3A_749 : vector<16xf32>
        %get3A_751 = arith.constant 40 : i32
        %get3A_752 = arith.index_cast %get3A_751 : i32 to index
        %get3A_753 = arith.index_cast %mul3A_468 : i32 to index
        %get3A_754 = tpu.vector_load %arg8[%get3A_752, %get3A_753] {strides = array<i32>} : memref<50x768xf32, #tpu.memory_space<vmem>>, vector<16xf32>,
        %mul3A_755 = vector.broadcast %squeeze3A_427 : f32 to vector<16xf32>
        %mul3A_756 = arith.mulf %mul3A_755, %get3A_754 : vector<16xf32>
        %add3A_757 = arith.addf %add3A_750, %mul3A_756 : vector<16xf32>
        %get3A_758 = arith.constant 41 : i32
        %get3A_759 = arith.index_cast %get3A_758 : i32 to index
        %get3A_760 = arith.index_cast %mul3A_468 : i32 to index
        %get3A_761 = tpu.vector_load %arg8[%get3A_759, %get3A_760] {strides = array<i32>} : memref<50x768xf32, #tpu.memory_space<vmem>>, vector<16xf32>,
        %mul3A_762 = vector.broadcast %squeeze3A_429 : f32 to vector<16xf32>
        %mul3A_763 = arith.mulf %mul3A_762, %get3A_761 : vector<16xf32>
        %add3A_764 = arith.addf %add3A_757, %mul3A_763 : vector<16xf32>
        %get3A_765 = arith.constant 42 : i32
        %get3A_766 = arith.index_cast %get3A_765 : i32 to index
        %get3A_767 = arith.index_cast %mul3A_468 : i32 to index
        %get3A_768 = tpu.vector_load %arg8[%get3A_766, %get3A_767] {strides = array<i32>} : memref<50x768xf32, #tpu.memory_space<vmem>>, vector<16xf32>,
        %mul3A_769 = vector.broadcast %squeeze3A_431 : f32 to vector<16xf32>
        %mul3A_770 = arith.mulf %mul3A_769, %get3A_768 : vector<16xf32>
        %add3A_771 = arith.addf %add3A_764, %mul3A_770 : vector<16xf32>
        %get3A_772 = arith.constant 43 : i32
        %get3A_773 = arith.index_cast %get3A_772 : i32 to index
        %get3A_774 = arith.index_cast %mul3A_468 : i32 to index
        %get3A_775 = tpu.vector_load %arg8[%get3A_773, %get3A_774] {strides = array<i32>} : memref<50x768xf32, #tpu.memory_space<vmem>>, vector<16xf32>,
        %mul3A_776 = vector.broadcast %squeeze3A_433 : f32 to vector<16xf32>
        %mul3A_777 = arith.mulf %mul3A_776, %get3A_775 : vector<16xf32>
        %add3A_778 = arith.addf %add3A_771, %mul3A_777 : vector<16xf32>
        %get3A_779 = arith.constant 44 : i32
        %get3A_780 = arith.index_cast %get3A_779 : i32 to index
        %get3A_781 = arith.index_cast %mul3A_468 : i32 to index
        %get3A_782 = tpu.vector_load %arg8[%get3A_780, %get3A_781] {strides = array<i32>} : memref<50x768xf32, #tpu.memory_space<vmem>>, vector<16xf32>,
        %mul3A_783 = vector.broadcast %squeeze3A_435 : f32 to vector<16xf32>
        %mul3A_784 = arith.mulf %mul3A_783, %get3A_782 : vector<16xf32>
        %add3A_785 = arith.addf %add3A_778, %mul3A_784 : vector<16xf32>
        %get3A_786 = arith.constant 45 : i32
        %get3A_787 = arith.index_cast %get3A_786 : i32 to index
        %get3A_788 = arith.index_cast %mul3A_468 : i32 to index
        %get3A_789 = tpu.vector_load %arg8[%get3A_787, %get3A_788] {strides = array<i32>} : memref<50x768xf32, #tpu.memory_space<vmem>>, vector<16xf32>,
        %mul3A_790 = vector.broadcast %squeeze3A_437 : f32 to vector<16xf32>
        %mul3A_791 = arith.mulf %mul3A_790, %get3A_789 : vector<16xf32>
        %add3A_792 = arith.addf %add3A_785, %mul3A_791 : vector<16xf32>
        %get3A_793 = arith.constant 46 : i32
        %get3A_794 = arith.index_cast %get3A_793 : i32 to index
        %get3A_795 = arith.index_cast %mul3A_468 : i32 to index
        %get3A_796 = tpu.vector_load %arg8[%get3A_794, %get3A_795] {strides = array<i32>} : memref<50x768xf32, #tpu.memory_space<vmem>>, vector<16xf32>,
        %mul3A_797 = vector.broadcast %squeeze3A_439 : f32 to vector<16xf32>
        %mul3A_798 = arith.mulf %mul3A_797, %get3A_796 : vector<16xf32>
        %add3A_799 = arith.addf %add3A_792, %mul3A_798 : vector<16xf32>
        %get3A_800 = arith.constant 47 : i32
        %get3A_801 = arith.index_cast %get3A_800 : i32 to index
        %get3A_802 = arith.index_cast %mul3A_468 : i32 to index
        %get3A_803 = tpu.vector_load %arg8[%get3A_801, %get3A_802] {strides = array<i32>} : memref<50x768xf32, #tpu.memory_space<vmem>>, vector<16xf32>,
        %mul3A_804 = vector.broadcast %squeeze3A_441 : f32 to vector<16xf32>
        %mul3A_805 = arith.mulf %mul3A_804, %get3A_803 : vector<16xf32>
        %add3A_806 = arith.addf %add3A_799, %mul3A_805 : vector<16xf32>
        %get3A_807 = arith.constant 48 : i32
        %get3A_808 = arith.index_cast %get3A_807 : i32 to index
        %get3A_809 = arith.index_cast %mul3A_468 : i32 to index
        %get3A_810 = tpu.vector_load %arg8[%get3A_808, %get3A_809] {strides = array<i32>} : memref<50x768xf32, #tpu.memory_space<vmem>>, vector<16xf32>,
        %mul3A_811 = vector.broadcast %squeeze3A_443 : f32 to vector<16xf32>
        %mul3A_812 = arith.mulf %mul3A_811, %get3A_810 : vector<16xf32>
        %add3A_813 = arith.addf %add3A_806, %mul3A_812 : vector<16xf32>
        %get3A_814 = arith.constant 49 : i32
        %get3A_815 = arith.index_cast %get3A_814 : i32 to index
        %get3A_816 = arith.index_cast %mul3A_468 : i32 to index
        %get3A_817 = tpu.vector_load %arg8[%get3A_815, %get3A_816] {strides = array<i32>} : memref<50x768xf32, #tpu.memory_space<vmem>>, vector<16xf32>,
        %mul3A_818 = vector.broadcast %squeeze3A_445 : f32 to vector<16xf32>
        %mul3A_819 = arith.mulf %mul3A_818, %get3A_817 : vector<16xf32>
        %add3A_820 = arith.addf %add3A_813, %mul3A_819 : vector<16xf32>
        %swap3A = arith.constant 1 : i32
        %swap3A_821 = arith.index_cast %swap3A : i32 to index
        %swap3A_822 = arith.index_cast %mul3A_468 : i32 to index
        %swap3A_823 = tpu.vector_load %arg10[%swap3A_821, %swap3A_822] {strides = array<i32>} : memref<2x768xf32, #tpu.memory_space<vmem>>, vector<16xf32>,
        tpu.vector_store %arg10[%swap3A_821, %swap3A_822], %add3A_820 {strides = array<i32>} : memref<2x768xf32, #tpu.memory_space<vmem>>, vector<16xf32>,
      }
      %scan3A_451 = arith.constant 48 : i32
      %add3A_452 = arith.addi %mul3A_2, %add3A_55 : i32
      %dma_start3A_453 = arith.constant 1 : i32
      %dma_start3A_454 = arith.constant 0 : i32
      %dma_start3A_455 = tpu.memref_slice %arg10[%dma_start3A_453, %dma_start3A_454] : memref<2x768xf32, #tpu.memory_space<vmem>> -> memref<1x768xf32, #tpu.memory_space<vmem>>
      %dma_start3A_456 = tpu.memref_squeeze %dma_start3A_455 : memref<1x768xf32, #tpu.memory_space<vmem>> -> memref<768xf32, #tpu.memory_space<vmem>>
      %dma_start3A_457 = arith.constant 0 : i32
      %dma_start3A_458 = tpu.memref_slice %arg5[%add3A_452, %dma_start3A_457] : memref<4096x768xf32, #tpu.memory_space<hbm>> -> memref<1x768xf32, #tpu.memory_space<hbm>>
      %dma_start3A_459 = tpu.memref_squeeze %dma_start3A_458 : memref<1x768xf32, #tpu.memory_space<hbm>> -> memref<768xf32, #tpu.memory_space<hbm>>
      %dma_start3A_460 = arith.constant 0 : i32
      %dma_start3A_461 = tpu.memref_slice %arg5[%add3A_452, %dma_start3A_460] : memref<4096x768xf32, #tpu.memory_space<hbm>> -> memref<1x768xf32, #tpu.memory_space<hbm>>
      %dma_start3A_462 = tpu.memref_squeeze %dma_start3A_461 : memref<1x768xf32, #tpu.memory_space<hbm>> -> memref<768xf32, #tpu.memory_space<hbm>>
      %dma_start3A_463 = arith.constant 0 : i32
      %dma_start3A_464 = tpu.memref_slice %arg10[%dma_start3A_453, %dma_start3A_463] : memref<2x768xf32, #tpu.memory_space<vmem>> -> memref<1x768xf32, #tpu.memory_space<vmem>>
      %dma_start3A_465 = tpu.memref_squeeze %dma_start3A_464 : memref<1x768xf32, #tpu.memory_space<vmem>> -> memref<768xf32, #tpu.memory_space<vmem>>
      tpu.enqueue_dma source(%dma_start3A_465 : memref<768xf32, #tpu.memory_space<vmem>>) target(%dma_start3A_462 : memref<768xf32, #tpu.memory_space<hbm>>) target_semaphore(%arg16 : memref<!tpu.dma_semaphore, #tpu.memory_space<semaphore_mem>>)
    }
    %scan3A_21 = arith.constant 64 : i32
    %add3A_22 = arith.constant 126 : i32
    %add3A_23 = arith.addi %mul3A_2, %add3A_22 : i32
    %dma_wait3A = arith.constant 0 : i32
    %dma_wait3A_24 = arith.constant 0 : i32
    %dma_wait3A_25 = tpu.memref_slice %arg10[%dma_wait3A, %dma_wait3A_24] : memref<2x768xf32, #tpu.memory_space<vmem>> -> memref<1x768xf32, #tpu.memory_space<vmem>>
    %dma_wait3A_26 = tpu.memref_squeeze %dma_wait3A_25 : memref<1x768xf32, #tpu.memory_space<vmem>> -> memref<768xf32, #tpu.memory_space<vmem>>
    %dma_wait3A_27 = arith.constant 0 : i32
    %dma_wait3A_28 = tpu.memref_slice %arg5[%add3A_23, %dma_wait3A_27] : memref<4096x768xf32, #tpu.memory_space<hbm>> -> memref<1x768xf32, #tpu.memory_space<hbm>>
    %dma_wait3A_29 = tpu.memref_squeeze %dma_wait3A_28 : memref<1x768xf32, #tpu.memory_space<hbm>> -> memref<768xf32, #tpu.memory_space<hbm>>
    %dma_wait3A_30 = arith.constant 0 : i32
    %dma_wait3A_31 = tpu.memref_slice %arg5[%add3A_23, %dma_wait3A_30] : memref<4096x768xf32, #tpu.memory_space<hbm>> -> memref<1x768xf32, #tpu.memory_space<hbm>>
    %dma_wait3A_32 = tpu.memref_squeeze %dma_wait3A_31 : memref<1x768xf32, #tpu.memory_space<hbm>> -> memref<768xf32, #tpu.memory_space<hbm>>
    %dma_wait3A_33 = arith.constant 0 : i32
    %dma_wait3A_34 = tpu.memref_slice %arg10[%dma_wait3A, %dma_wait3A_33] : memref<2x768xf32, #tpu.memory_space<vmem>> -> memref<1x768xf32, #tpu.memory_space<vmem>>
    %dma_wait3A_35 = tpu.memref_squeeze %dma_wait3A_34 : memref<1x768xf32, #tpu.memory_space<vmem>> -> memref<768xf32, #tpu.memory_space<vmem>>
    tpu.wait_dma2 semaphore(%arg15 : memref<!tpu.dma_semaphore, #tpu.memory_space<semaphore_mem>>) src(%dma_wait3A_35 : memref<768xf32, #tpu.memory_space<vmem>>) dst(%dma_wait3A_32 : memref<768xf32, #tpu.memory_space<hbm>>)
    %add3A_36 = arith.constant 127 : i32
    %add3A_37 = arith.addi %mul3A_2, %add3A_36 : i32
    %dma_wait3A_38 = arith.constant 1 : i32
    %dma_wait3A_39 = arith.constant 0 : i32
    %dma_wait3A_40 = tpu.memref_slice %arg10[%dma_wait3A_38, %dma_wait3A_39] : memref<2x768xf32, #tpu.memory_space<vmem>> -> memref<1x768xf32, #tpu.memory_space<vmem>>
    %dma_wait3A_41 = tpu.memref_squeeze %dma_wait3A_40 : memref<1x768xf32, #tpu.memory_space<vmem>> -> memref<768xf32, #tpu.memory_space<vmem>>
    %dma_wait3A_42 = arith.constant 0 : i32
    %dma_wait3A_43 = tpu.memref_slice %arg5[%add3A_37, %dma_wait3A_42] : memref<4096x768xf32, #tpu.memory_space<hbm>> -> memref<1x768xf32, #tpu.memory_space<hbm>>
    %dma_wait3A_44 = tpu.memref_squeeze %dma_wait3A_43 : memref<1x768xf32, #tpu.memory_space<hbm>> -> memref<768xf32, #tpu.memory_space<hbm>>
    %dma_wait3A_45 = arith.constant 0 : i32
    %dma_wait3A_46 = tpu.memref_slice %arg5[%add3A_37, %dma_wait3A_45] : memref<4096x768xf32, #tpu.memory_space<hbm>> -> memref<1x768xf32, #tpu.memory_space<hbm>>
    %dma_wait3A_47 = tpu.memref_squeeze %dma_wait3A_46 : memref<1x768xf32, #tpu.memory_space<hbm>> -> memref<768xf32, #tpu.memory_space<hbm>>
    %dma_wait3A_48 = arith.constant 0 : i32
    %dma_wait3A_49 = tpu.memref_slice %arg10[%dma_wait3A_38, %dma_wait3A_48] : memref<2x768xf32, #tpu.memory_space<vmem>> -> memref<1x768xf32, #tpu.memory_space<vmem>>
    %dma_wait3A_50 = tpu.memref_squeeze %dma_wait3A_49 : memref<1x768xf32, #tpu.memory_space<vmem>> -> memref<768xf32, #tpu.memory_space<vmem>>
    tpu.wait_dma2 semaphore(%arg16 : memref<!tpu.dma_semaphore, #tpu.memory_space<semaphore_mem>>) src(%dma_wait3A_50 : memref<768xf32, #tpu.memory_space<vmem>>) dst(%dma_wait3A_47 : memref<768xf32, #tpu.memory_space<hbm>>)
    return
  }
}

</mosaic_0001>

<sc_bundles>
// kernel: kernel.3.cloned.1.call-start
scs
__scs_entry_jumppad:
0x0: {  	(pc) =	sbr.rel $0x88, $3  }
0x1: {  	(tag) =	ssettag $0x0;
	lr =	simm.s32 $0x1  }
0x2: {  	[smem:$0x3F9E] =	sst lr;
	_ =	strace $0xD0000000  }
0x3: {  	_ = 	snop  }
0x4: {  	_ = 	snop  }
0x5: {  	_ = 	snop  }
0x6: {  	_ = 	snop  }
0x7: {  	_ = 	snop  }
__scs_overlays_trampoline_lowered:
0x8: {  	[smem:$0x3FAD] =	sst s0  }
0x9: {  	[smem:$0x3FAE] =	sst s1  }
0xa: {  	[smem:$0x3FAF] =	sst s2  }
0xb: {  	[smem:$0x3FB0] =	sst s3  }
0xc: {  	[smem:$0x3FB1] =	sst s4  }
0xd: {  	[smem:$0x3FB2] =	sst s5  }
0xe: {  	[smem:$0x3FB3] =	sst s6  }
0xf: {  	[smem:$0x3FB4] =	sst s7  }
0x10: {  	[smem:$0x3FB5] =	sst s8  }
0x11: {  	[smem:$0x3FB6] =	sst s9;
	s0 =	simm.s32 @!p0 $0x0  }
0x12: {  	s1 =	sld [smem:$0x3F9C];
	s0 =	simm.s32 @p0 $0x1  }
0x13: {  	[smem:$0x3FB7] =	sst s0;
	s0 =	simm.s32 @!p1 $0x0  }
0x14: {  	s2 =	sld [smem:$0x3F9B];
	s0 =	simm.s32 @p1 $0x1  }
0x15: {  	[smem:$0x3FB8] =	sst s0;
	s0 =	simm.s32 @!p2 $0x0  }
0x16: {  	s3 =	sld [smem:$0x3FDB];
	s0 =	simm.s32 @p2 $0x1  }
0x17: {  	s4 =	simm.s32 $0x1BF5;
	[smem:$0x3FBA] =	sst s0  }
0x18: {  	s0 =	sld [smem:$0x3F9D];
	_ =	swait.ge [sflag:s4], $0x0  }
0x19: {  	s7 =	sld [smem:$0x3F9E]  }
0x1a: {  	s8 =	sadd.s32 $0xFFFFE003, lr  }
0x1b: {  	s9 =	sadd.s32 $0xFFFFFEF7, lr;
	s5 =	simm.s32 $0xFFFFFFFF;
	p2 =	slt.u32 s8, $0xFFFFF086  }
0x1c: {  	p1 =	slt.u32 s9, $0xF7A;
	s5 =	simm.s32 @!p2 $0x0  }
0x1d: {  	s5 =	simm.s32 @p1 $0x1;
	p0 =	seq.s32 s7, s2  }
0x1e: {  	s7 =	smul.u32 @!p0 $0xF7A, s2;
	p2 =	seq.s32 @!p0 s5, $0x0  }
0x1f: {  	s9 =	smul.u32 $0xF7A, s1;
	s8 =	simm.s32 @!p0 $0x1BF5;
	p2 =	por !p2, p0  }
0x20: {  	[sflag:s8] =	ssyncset.s32 @!p0 $0xFFFFF086;
	s6 =	sadd.s32 @!p0 s3, s7;
	s7 =	simm.s32 @!p0 $0x108  }
0x21: {  	s3 =	sadd.s32 s3, s9;
	s6 =	sadd.s32 @!p0 $0x88, s6;
	s7 =	simm.s32 @p2 $0x1082  }
0x22: {  	[simem:s7], [sflag:s8] =	dma.local @!p0 [hbm:s6], $0xF7A  }
0x23: {  	s9 =	sor.u32 $0xD0000000, s2;
	s6 =	simm.s32 $0x108;
	_ =	swait.ge @!p0 [sflag:s8], $0x0  }
0x24: {  	s3 =	sadd.s32 $0x88, s3;
	s6 =	simm.s32 @!p1 $0x1082;
	[sflag:s4] =	ssyncset.s32 $0xFFFFF086  }
0x25: {  	[simem:s6], [sflag:s4] =	dma.local [hbm:s3], $0xF7A  }
0x26: {  	[smem:$0x3F9E] =	sst s1;
	(tag) =	ssettag s2;
	_ =	strace s9  }
0x27: {  	s1 =	sld [smem:$0x3FAE]  }
0x28: {  	s2 =	sld [smem:$0x3FAF]  }
0x29: {  	s4 =	sld [smem:$0x3FB1]  }
0x2a: {  	p0 =	seq.s32 s5, $0x0;
	s5 =	sld [smem:$0x3FB2]  }
0x2b: {  	s6 =	sld [smem:$0x3FB3]  }
0x2c: {  	s7 =	sld [smem:$0x3FB4]  }
0x2d: {  	s3 =	simm.s32 $0x108;
	s8 =	sld [smem:$0x3FB5]  }
0x2e: {  	s3 =	simm.s32 @!p0 $0x1082;
	s9 =	sld [smem:$0x3FB6]  }
0x2f: {  	lr =	sadd.s32 s0, s3;
	s0 =	sld [smem:$0x3FAD]  }
0x30: {  	s3 =	sld [smem:$0x3FB0]  }
0x31: {  	[smem:$0x3FB9] =	sst s10  }
0x32: {  	s10 =	sld [smem:$0x3FB7];
	_ =	sdelay $0x3  }
0x33: {  	p0 =	seq.s32 s10, $0x1;
	s10 =	sld [smem:$0x3FB9];
	_ =	sdelay $0x3  }
0x34: {  	[smem:$0x3FB9] =	sst s10  }
0x35: {  	s10 =	sld [smem:$0x3FB8];
	_ =	sdelay $0x3  }
0x36: {  	p1 =	seq.s32 s10, $0x1;
	s10 =	sld [smem:$0x3FB9];
	_ =	sdelay $0x3  }
0x37: {  	[smem:$0x3FB9] =	sst s10  }
0x38: {  	s10 =	sld [smem:$0x3FBA]  }
0x39: {  	_ = 	snop;
	(pc) =	sbr.ind lr, $3  }
0x3a: {  	_ = 	snop  }
0x3b: {  	_ = 	snop  }
0x3c: {  	p2 =	seq.s32 s10, $0x1;
	s10 =	sld [smem:$0x3FB9]  }
0x3d: {  	_ =	shalt  }
0x3e: {  	_ =	shalt  }
0x3f: {  	_ =	shalt  }
0x40: {  	_ =	shalt  }
0x41: {  	_ =	shalt  }
0x42: {  	_ =	shalt  }
0x43: {  	_ =	shalt  }
0x44: {  	_ =	shalt  }
0x45: {  	_ =	shalt  }
0x46: {  	_ =	shalt  }
0x47: {  	_ =	shalt  }
0x48: {  	_ =	shalt  }
0x49: {  	_ =	shalt  }
0x4a: {  	_ =	shalt  }
0x4b: {  	_ =	shalt  }
0x4c: {  	_ =	shalt  }
0x4d: {  	_ =	shalt  }
0x4e: {  	_ =	shalt  }
0x4f: {  	_ =	shalt  }
0x50: {  	_ =	shalt  }
0x51: {  	_ =	shalt  }
0x52: {  	_ =	shalt  }
0x53: {  	_ =	shalt  }
0x54: {  	_ =	shalt  }
0x55: {  	_ =	shalt  }
0x56: {  	_ =	shalt  }
0x57: {  	_ =	shalt  }
0x58: {  	_ =	shalt  }
0x59: {  	_ =	shalt  }
0x5a: {  	_ =	shalt  }
0x5b: {  	_ =	shalt  }
0x5c: {  	_ =	shalt  }
0x5d: {  	_ =	shalt  }
0x5e: {  	_ =	shalt  }
0x5f: {  	_ =	shalt  }
0x60: {  	_ =	shalt  }
0x61: {  	_ =	shalt  }
0x62: {  	_ =	shalt  }
0x63: {  	_ =	shalt  }
0x64: {  	_ =	shalt  }
0x65: {  	_ =	shalt  }
0x66: {  	_ =	shalt  }
0x67: {  	_ =	shalt  }
0x68: {  	_ =	shalt  }
0x69: {  	_ =	shalt  }
0x6a: {  	_ =	shalt  }
0x6b: {  	_ =	shalt  }
0x6c: {  	_ =	shalt  }
0x6d: {  	_ =	shalt  }
0x6e: {  	_ =	shalt  }
0x6f: {  	_ =	shalt  }
0x70: {  	_ =	shalt  }
0x71: {  	_ =	shalt  }
0x72: {  	_ =	shalt  }
0x73: {  	_ =	shalt  }
0x74: {  	_ =	shalt  }
0x75: {  	_ =	shalt  }
0x76: {  	_ =	shalt  }
0x77: {  	_ =	shalt  }
0x78: {  	_ =	shalt  }
0x79: {  	_ =	shalt  }
0x7a: {  	_ =	shalt  }
0x7b: {  	_ =	shalt  }
0x7c: {  	_ =	shalt  }
0x7d: {  	_ =	shalt  }
0x7e: {  	_ =	shalt  }
0x7f: {  	_ =	shalt  }
0x80: {  	_ =	shalt  }
0x81: {  	_ =	shalt  }
0x82: {  	_ =	shalt  }
0x83: {  	_ =	shalt  }
0x84: {  	_ =	shalt  }
0x85: {  	_ =	shalt  }
0x86: {  	_ =	shalt  }
0x87: {  	_ =	shalt  }
.Lfunc_end0:
.L_simem_size_0:
called_computation_lowered:
.L_overlay_start_0:
0x88: {  	s2 =	sld [smem:$0x3FD9]  }
0x89: {  	s3 =	sld [smem:$0x3FFE];
	_ =	sdelay $0x1  }
0x8a: {  	s1 =	srdreg.scid  }
0x8b: {  	s0 =	sand.u32 $0x1, s1  }
0x8c: {  	s17 =	sshll.u32 s0, $0xA;
	s2 =	sadd.s32 s3, s2  }
0x8d: {  	s2 =	sadd.s32 s2, s17  }
0x8e: {  	[smem:$0x3FC5] =	sst s2  }
0x8f: {  	_ = 	snop  }
0x90: {  	s2 =	sld [smem:$0x3FC7]  }
0x91: {  	s18 =	sld [smem:$0x3FD0];
	(tm) =	ssettm $0x1  }
0x92: {  	s4 =	sld [smem:$0x3FFB];
	_ =	sdelay $0x3  }
0x93: {  	_ =	strace s4  }
0x94: {  	s4 =	sld [smem:$0x3FFC];
	_ =	sdelay $0x3  }
0x95: {  	_ =	strace s4  }
0x96: {  	s4 =	sld [smem:$0x3FFD];
	_ =	sdelay $0x3  }
0x97: {  	_ =	strace s4  }
0x98: {  	_ =	strace $0x8FFFFFFF  }
0x99: {  	s19 =	sld [smem:$0x3FDB];
	_ =	sdelay $0x1  }
0x9a: {  	s5 =	simm.s32 $_scs_section_size  }
0x9b: {  	s6 =	simm.s32 $_size__tile_overlayer_lowered;
	s7 =	simm.s32 $_tile_overlayer_lowered  }
0x9c: {  	s22 =	simm.s32 $0x1BFF;
	s21 =	sshll.u32 s7, $0x1;
	s4 =	sadd.s32 s5, s19  }
0x9d: {  	s8 =	simm.s32 $0x0;
	s20 =	sshll.u32 s6, $0x1;
	s6 =	sadd.s32 s21, s4  }
0x9e: {  	[timem:s8], [sflag:s22] =	dma.local [hbm:s6], s20  }
0x9f: {  	_ =	swait.ge [sflag:s22], s20  }
0xa0: {  	s5 =	ssub.s32 $0x0, s20;
	[sflag:s22] =	ssyncset.done $0x0  }
0xa1: {  	[sflag:s22] =	ssyncadd.s32 s5;
	_ =	sdelay $0x1  }
0xa2: {  	s23 =	simm.s32 $0x1B8B  }
0xa3: {  	_ =	swait.ge [sflag:s23], $0x1  }
0xa4: {  	[sflag:s23] =	ssyncset.done $0x0  }
0xa5: {  	s25 =	simm.s32 $0x1B8E;
	s24 =	sld [smem:$0x3FFE];
	[sflag:s23] =	ssyncadd.s32 $0xFFFFFFFF  }
0xa6: {  	s26 =	simm.s32 $execute0_lowered;
	[smem:$0x3FD2] =	sst s25  }
0xa7: {  	s6 =	sshll.u32 s26, $0x1;
	_ =	strace $0x80000046;
	[dreg:$0x1] =	wrdreg $0xFFFFFFFF  }
0xa8: {  	s28 =	simm.s32 $_size_execute0_lowered;
	s4 =	sadd.s32 s4, s6;
	[dreg:$0x0] =	wrdreg $0x0  }
0xa9: {  	s6 =	sshll.u32 s28, $0x1;
	[dreg:$0x2] =	wrdreg s4  }
0xaa: {  	[dreg:$0x3] =	wrdreg s6  }
0xab: {  	[dreg:$0x4] =	wrdreg $0xC0  }
0xac: {  	_ =	task [dreg:s8], $0x5FFFF  }
0xad: {  	[dreg:$0x1] =	wrdreg $0xFFFFFFFF  }
0xae: {  	[dreg:$0x0] =	wrdreg $0x60  }
0xaf: {  	[dreg:$0x2] =	wrdreg s18  }
0xb0: {  	[dreg:$0x3] =	wrdreg s24  }
0xb1: {  	[dreg:$0x4] =	wrdreg s2  }
0xb2: {  	[dreg:$0x5] =	wrdreg $0x9  }
0xb3: {  	_ =	task.clear_ibuf [dreg:s8], $0x6FFFF;
	_ =	strace $0x90000046  }
0xb4: {  	s29 =	simm.s32 $0x9;
	_ =	strace $0x80000048  }
0xb5: {  	_ =	swait.ge [sflag:s29], $0x1  }
0xb6: {  	[sflag:s29] =	ssyncadd.s32 $0xFFFFFFFF  }
0xb7: {  	_ =	strace $0x90000048  }
0xb8: {  	_ =	sfence  }
0xb9: {  	s30 =	sld [smem:$0x0];
	_ =	sdelay $0x2  }
0xba: {  	s31 =	sshll.u32 s1, $0xD;
	s1 =	sshrl.u32 s1, $0x2  }
0xbb: {  	s3 =	sand.u32 $0x4000, s31;
	s1 =	sadd.s32 s1, s30  }
0xbc: {  	s0 =	sor.u32 s3, s0;
	s1 =	sshll.u32 s1, $0x11  }
0xbd: {  	s0 =	sor.u32 s1, s0  }
0xbe: {  	s0 =	sadd.s32 $0x8F2B, s0  }
0xbf: {  	[sflag:s0] =	ssyncadd.remote.s32 $0x1  }
0xc0: {  	_ =	sfence.sel $0xFFFF  }
0xc1: {  	[dreg:$0x0] =	wrdreg $0xFFFFFFFF;
	(pc) =	sbr.abs _section_cstart, $3  }
0xc2: {  	[dreg:$0x1] =	wrdreg $0xFFFFFFFF  }
0xc3: {  	_ =	task.clear_ibuf [dreg:s8], $0x2FFFF;
	_ =	strace $0x9FFFFFFF  }
0xc4: {  	(tm) =	ssettm $0x7FFFFFFF  }
0xc5: {  	_ =	shalt  }
tec
execute0_lowered:
.L_overlay_start_1:
0x0: {  	(tag) =	ssettag $0x1  }
0x1: {  	s0 =	rddreg [dreg:$0x0]  }
0x2: {  	s5 =	rddreg [dreg:$0x1]  }
0x3: {  	s2 =	rddreg [dreg:$0x2]  }
0x4: {  	s3 =	simm.s32 $0x0;
	s4 =	srdreg.scid;
	s1 =	stileid.u32  }
0x5: {  	s10 =	simm.s32 $0x32;
	s11 =	simm.s32 $0x1C00;
	s12 =	simm.s32 $0x38  }
0x6: {  	s13 =	simm.s32 $0x14800;
	s14 =	simm.s32 $0xB200;
	s15 =	simm.s32 $0x14840  }
0x7: {  	s16 =	simm.s32 $0x3;
	s17 =	simm.s32 $0x1;
	s18 =	simm.s32 $0x14880  }
0x8: {  	s19 =	simm.s32 $0x4;
	s20 =	simm.s32 $0x2;
	s21 =	simm.s32 $0x14B80  }
0x9: {  	s22 =	simm.s32 $0x5;
	s23 =	simm.s32 $0x6;
	s24 =	simm.s32 $0x0  }
0xa: {  	[smem:$0x7FF] =	sst s3;
	s4 =	sand.u32 $0x1, s4;
	s6 =	sshll.u32 s1, $0x1  }
0xb: {  	_ =	strace $0x80000047;
	s7 =	ssub.s32 $0x2, s4;
	s6 =	sor.u32 s4, s6  }
0xc: {  	s4 =	sadd.s32 $0x400, s5;
	s8 =	sshrl.u32 s7, $0x1;
	s9 =	smul.u32 $0x380, s6  }
0xd: {  	s5 =	sadd.s32 $0x2CBA00, s5;
	s6 =	sshll.u32 s6, $0x7;
	s8 =	ssub.s32 s7, s8  }
0xe: {  	vm0 =	vmmov $0x3;
	s7 =	sadd.s32 s0, s9;
	s8 =	smax.u32 s8, $0x1;
	s9 =	simm.s32 $0x7  }
.LBB2_1:
0xf: {  	[tilespmem:s3], [sflag:$0x7] =	stream.linear.gather [hbm4b:s7+s3], $0x1C00, $0x38;
	[tilespmem:$0x14E80] =	vst v63  }
0x10: {  	_ =	swait.ge [sflag:s9], $0x1C00  }
0x11: {  	[sflag:s9] =	ssyncset.done $0x0  }
0x12: {  	[sflag:s9] =	ssyncadd.s32 $0xFFFFE400  }
0x13: {  	[tilespmem:s11], [sflag:$0x1] =	stream.indirect.gather [hbm4b:s4+s10], $0x300, s3, s10, $0xb8;
	[tilespmem:$0x14E80] =	vst v63  }
0x14: {  	s25 =	simm.s32 $0x0  }
0x15: {  	[tilespmem:s13], [sflag:$0x3] =	stream.indirect.gather [hbm4b:s2+s12], $0x1, s3, s12, $0xb8;
	[tilespmem:$0x14E80] =	vst v63  }
.LBB2_2:
0x16: {  	s26 =	sshllo.u32 s25, $0x1  }
0x17: {  	s0 =	smul.u32 $0xE0, s26;
	_ =	sdelay $0x1  }
0x18: {  	s0 =	sshra.s32 s0, $0x2  }
0x19: {  	[tilespmem:s14], [sflag:$0x2] =	stream.indirect.gather [hbm4b:s4+s10], $0x300, s0, s10, $0xb8;
	[tilespmem:$0x14E80] =	vst v63  }
0x1a: {  	_ = 	snop  }
0x1b: {  	[tilespmem:s15], [sflag:$0x4] =	stream.indirect.gather [hbm4b:s2+s12], $0x1, s0, s12, $0xb8;
	[tilespmem:$0x14E80] =	vst v63  }
0x1c: {  	_ =	swait.ge [sflag:s16], $0x38  }
0x1d: {  	[sflag:s16] =	ssyncset.done $0x0  }
0x1e: {  	[sflag:s16] =	ssyncadd.s32 $0xFFFFFFC8  }
0x1f: {  	_ =	swait.ge [sflag:s17], $0x9600  }
0x20: {  	p0 =	seq.s32 s25, $0x0;
	[sflag:s17] =	ssyncset.done $0x0  }
0x21: {  	s0 =	simm.s32 @!p0 $0x5;
	[sflag:s17] =	ssyncadd.s32 $0xFFFF6A00  }
0x22: {  	_ =	swait.ge @!p0 [sflag:s0], $0x300  }
0x23: {  	[sflag:s0] =	ssyncset.done @!p0 $0x0  }
0x24: {  	[sflag:s0] =	ssyncadd.s32 @!p0 $0xFFFFFD00  }
0x25: {  	v0 =	vld [tilespmem:$0x14800]  }
0x26: {  	v1 =	vld [tilespmem:$0x14810]  }
0x27: {  	v2 =	vld [tilespmem:$0x14830]  }
0x28: {  	v3 =	vld [tilespmem:$0x14820];
	_ =	sdelay $0x3  }
0x29: {  	v2 =	vnsel vm0, $0xF149F2CA, v2  }
0x2a: {  	v4 =	vmax.f32 v0, v1;
	v5 =	vmax.f32 v3, v2  }
0x2b: {  	v4 =	vmax.f32 v4, v5  }
0x2c: {  	(xrf0) =	vmax.scan.msk.f32 $0xffff, v4;
	_ =	sdelay $0x5  }
0x2d: {  	v4, _, _ =	vpop (xrf0)  }
0x2e: {  	v4 =	vbroadcast v4, $0xF;
	_ =	sdelay $0x1  }
0x2f: {  	v0 =	vsub.f32 v0, v4  }
0x30: {  	v1 =	vsub.f32 v1, v4  }
0x31: {  	v0 =	vmul.f32 $1.442695020e+00, v0  }
0x32: {  	v3 =	vsub.f32 v3, v4;
	v1 =	vmul.f32 $1.442695020e+00, v1  }
0x33: {  	(erf) = vpow2.f32 v0;
	v0 =	vsub.f32 v2, v4  }
0x34: {  	(erf) = vpow2.f32 v1;
	v1 =	vmul.f32 $1.442695020e+00, v3  }
0x35: {  	v0 =	vmul.f32 $1.442695020e+00, v0  }
0x36: {  	(erf) = vpow2.f32 v1  }
0x37: {  	(erf) = vpow2.f32 v0;
	_ =	sdelay $0x4  }
0x38: {  	v0 =	vpop (erf)  }
0x39: {  	v1 =	vpop (erf)  }
0x3a: {  	v2 =	vadd.f32 v1, v0  }
0x3b: {  	v3 =	vpop (erf)  }
0x3c: {  	v4 =	vpop (erf);
	v2 =	vadd.f32 v2, v3  }
0x3d: {  	v5 =	vnsel vm0, $0x0, v4  }
0x3e: {  	v2 =	vadd.f32 v2, v5;
	_ =	sdelay $0x1  }
0x3f: {  	(xrf2) =	vadd.scan.msk.f32 $0xffff, v2;
	_ =	sdelay $0x9  }
0x40: {  	v2, _, _ =	vpop (xrf2)  }
0x41: {  	v2 =	vbroadcast v2, $0xF;
	_ =	sdelay $0x1  }
0x42: {  	(erf) = vrcp.f32 v2;
	_ =	sdelay $0x7  }
0x43: {  	s29 =	simm.s32 $0x0  }
0x44: {  	v2 =	vld [tilespmem:s29+$0x1C00];
	v6 =	vpop (erf)  }
0x45: {  	v0 =	vmul.f32 v6, v0  }
0x46: {  	v4 =	vld [tilespmem:s29+$0x1F00]  }
0x47: {  	v38 =	vbroadcast v0, $0x0  }
0x48: {  	v7 =	vld [tilespmem:s29+$0x2200]  }
0x49: {  	v36 =	vbroadcast v0, $0x1;
	v2 =	vmul.f32 v2, v38  }
0x4a: {  	v8 =	vld [tilespmem:s29+$0x2500]  }
0x4b: {  	v34 =	vbroadcast v0, $0x2;
	v4 =	vmul.f32 v4, v36;
	v2 =	vadd.f32 $0.0e+00, v2  }
0x4c: {  	v9 =	vld [tilespmem:s29+$0x2800]  }
0x4d: {  	v33 =	vbroadcast v0, $0x3;
	v2 =	vadd.f32 v4, v2;
	v4 =	vmul.f32 v7, v34  }
0x4e: {  	v7 =	vld [tilespmem:s29+$0x2B00]  }
0x4f: {  	v31 =	vbroadcast v0, $0x4;
	v2 =	vadd.f32 v4, v2;
	v4 =	vmul.f32 v8, v33  }
0x50: {  	v8 =	vld [tilespmem:s29+$0x2E00]  }
0x51: {  	v30 =	vbroadcast v0, $0x5;
	v2 =	vadd.f32 v4, v2;
	v4 =	vmul.f32 v9, v31  }
0x52: {  	v9 =	vld [tilespmem:s29+$0x3100]  }
0x53: {  	v28 =	vbroadcast v0, $0x6;
	v2 =	vadd.f32 v4, v2;
	v4 =	vmul.f32 v7, v30  }
0x54: {  	v7 =	vld [tilespmem:s29+$0x3400]  }
0x55: {  	v27 =	vbroadcast v0, $0x7;
	v2 =	vadd.f32 v4, v2;
	v4 =	vmul.f32 v8, v28  }
0x56: {  	v8 =	vld [tilespmem:s29+$0x3700]  }
0x57: {  	v25 =	vbroadcast v0, $0x8;
	v2 =	vadd.f32 v4, v2;
	v4 =	vmul.f32 v9, v27  }
0x58: {  	v9 =	vld [tilespmem:s29+$0x3A00]  }
0x59: {  	v24 =	vbroadcast v0, $0x9;
	v2 =	vadd.f32 v4, v2;
	v4 =	vmul.f32 v7, v25  }
0x5a: {  	v7 =	vld [tilespmem:s29+$0x3D00]  }
0x5b: {  	v22 =	vbroadcast v0, $0xA;
	v2 =	vadd.f32 v4, v2;
	v4 =	vmul.f32 v8, v24  }
0x5c: {  	v8 =	vld [tilespmem:s29+$0x4000]  }
0x5d: {  	v21 =	vbroadcast v0, $0xB;
	v2 =	vadd.f32 v4, v2;
	v4 =	vmul.f32 v9, v22  }
0x5e: {  	v9 =	vld [tilespmem:s29+$0x4300]  }
0x5f: {  	v19 =	vbroadcast v0, $0xC;
	v2 =	vadd.f32 v4, v2;
	v4 =	vmul.f32 v7, v21  }
0x60: {  	v7 =	vld [tilespmem:s29+$0x4600]  }
0x61: {  	v18 =	vbroadcast v0, $0xD;
	v2 =	vadd.f32 v4, v2;
	v4 =	vmul.f32 v8, v19  }
0x62: {  	v8 =	vld [tilespmem:s29+$0x4900]  }
0x63: {  	v16 =	vbroadcast v0, $0xE;
	v2 =	vadd.f32 v4, v2;
	v4 =	vmul.f32 v9, v18  }
0x64: {  	v17 =	vmul.f32 v6, v1;
	v1 =	vld [tilespmem:s29+$0x4C00]  }
0x65: {  	v15 =	vbroadcast v0, $0xF;
	v0 =	vadd.f32 v4, v2;
	v2 =	vmul.f32 v7, v16  }
0x66: {  	v4 =	vld [tilespmem:s29+$0x4F00]  }
0x67: {  	v14 =	vbroadcast v17, $0x0;
	v0 =	vadd.f32 v2, v0;
	v2 =	vmul.f32 v8, v15  }
0x68: {  	v7 =	vld [tilespmem:s29+$0x5200]  }
0x69: {  	v12 =	vbroadcast v17, $0x1;
	v1 =	vmul.f32 v1, v14;
	v0 =	vadd.f32 v2, v0  }
0x6a: {  	v2 =	vld [tilespmem:s29+$0x5500]  }
0x6b: {  	v11 =	vbroadcast v17, $0x2;
	v0 =	vadd.f32 v1, v0;
	v1 =	vmul.f32 v4, v12  }
0x6c: {  	v10 =	vld [tilespmem:s29+$0x5800]  }
0x6d: {  	v9 =	vbroadcast v17, $0x3;
	v0 =	vadd.f32 v1, v0;
	v1 =	vmul.f32 v7, v11  }
0x6e: {  	v7 =	vld [tilespmem:s29+$0x5B00]  }
0x6f: {  	v8 =	vbroadcast v17, $0x4;
	v0 =	vadd.f32 v1, v0;
	v1 =	vmul.f32 v2, v9  }
0x70: {  	v2 =	vld [tilespmem:s29+$0x5E00]  }
0x71: {  	v10 =	vmul.f32 v10, v8;
	v4 =	vbroadcast v17, $0x5;
	v0 =	vadd.f32 v1, v0  }
0x72: {  	v13 =	vld [tilespmem:s29+$0x6100]  }
0x73: {  	v20 =	vld [tilespmem:s29+$0x6400];
	v1 =	vbroadcast v17, $0x6;
	v7 =	vmul.f32 v7, v4;
	v10 =	vadd.f32 v10, v0  }
0x74: {  	s28 =	simm.s32 $0x10;
	v23 =	vld [tilespmem:s29+$0x6700]  }
0x75: {  	v26 =	vld [tilespmem:s28+$0x1C00];
	v0 =	vbroadcast v17, $0x7;
	v7 =	vadd.f32 v7, v10;
	v10 =	vmul.f32 v2, v1  }
0x76: {  	v29 =	vld [tilespmem:s28+$0x1F00]  }
0x77: {  	v32 =	vld [tilespmem:s28+$0x2200];
	v2 =	vbroadcast v17, $0x8;
	v7 =	vadd.f32 v10, v7;
	v10 =	vmul.f32 v13, v0  }
0x78: {  	v49 =	vmul.f32 v6, v5;
	v13 =	vld [tilespmem:s29+$0x6A00]  }
0x79: {  	v35 =	vld [tilespmem:s29+$0x7000];
	v5 =	vbroadcast v17, $0x9;
	v7 =	vadd.f32 v10, v7;
	v10 =	vmul.f32 v20, v2  }
0x7a: {  	v47 =	vmul.f32 v6, v3;
	v26 =	vmul.f32 v26, v38;
	v20 =	vld [tilespmem:s29+$0x6D00]  }
0x7b: {  	v37 =	vld [tilespmem:s28+$0x2500];
	v6 =	vbroadcast v17, $0xA;
	v23 =	vmul.f32 v23, v5;
	v10 =	vadd.f32 v10, v7  }
0x7c: {  	v39 =	vld [tilespmem:s29+$0x7300];
	v29 =	vmul.f32 v29, v36;
	v26 =	vadd.f32 $0.0e+00, v26  }
0x7d: {  	v40 =	vld [tilespmem:s28+$0x2800];
	v3 =	vbroadcast v17, $0xB;
	v13 =	vmul.f32 v13, v6;
	v23 =	vadd.f32 v23, v10  }
0x7e: {  	v50 =	vld [tilespmem:s29+$0x7600];
	v26 =	vadd.f32 v29, v26;
	v29 =	vmul.f32 v32, v34  }
0x7f: {  	v41 =	vld [tilespmem:s28+$0x2B00];
	v7 =	vbroadcast v17, $0xC;
	v20 =	vmul.f32 v20, v3;
	v23 =	vadd.f32 v13, v23  }
0x80: {  	v51 =	vld [tilespmem:s29+$0x7900];
	v26 =	vadd.f32 v29, v26;
	v29 =	vmul.f32 v37, v33  }
0x81: {  	v42 =	vld [tilespmem:s28+$0x2E00];
	v10 =	vbroadcast v17, $0xD;
	v35 =	vmul.f32 v35, v7;
	v20 =	vadd.f32 v20, v23  }
0x82: {  	v52 =	vld [tilespmem:s29+$0x7C00];
	v26 =	vadd.f32 v29, v26;
	v29 =	vmul.f32 v40, v31  }
0x83: {  	v53 =	vld [tilespmem:s28+$0x3100];
	v13 =	vbroadcast v17, $0xE;
	v23 =	vmul.f32 v39, v10;
	v35 =	vadd.f32 v35, v20  }
0x84: {  	v54 =	vld [tilespmem:s29+$0x7F00];
	v26 =	vadd.f32 v29, v26;
	v29 =	vmul.f32 v41, v30  }
0x85: {  	v43 =	vld [tilespmem:s28+$0x3400];
	v17 =	vbroadcast v17, $0xF;
	v32 =	vmul.f32 v50, v13;
	v35 =	vadd.f32 v23, v35  }
0x86: {  	v55 =	vld [tilespmem:s29+$0x8200];
	v42 =	vmul.f32 v42, v28;
	v29 =	vadd.f32 v29, v26  }
0x87: {  	v44 =	vld [tilespmem:s28+$0x3700];
	v37 =	vmul.f32 v51, v17;
	v20 =	vbroadcast v47, $0x0;
	v32 =	vadd.f32 v32, v35  }
0x88: {  	v56 =	vld [tilespmem:s29+$0x8500];
	v40 =	vmul.f32 v53, v27;
	v42 =	vadd.f32 v42, v29  }
0x89: {  	v45 =	vld [tilespmem:s28+$0x3A00];
	v23 =	vbroadcast v47, $0x1;
	v39 =	vmul.f32 v52, v20;
	v32 =	vadd.f32 v37, v32  }
0x8a: {  	v58 =	vld [tilespmem:s29+$0x8800];
	v57 =	vmul.f32 v43, v25;
	v40 =	vadd.f32 v40, v42  }
0x8b: {  	v46 =	vld [tilespmem:s28+$0x3D00];
	v26 =	vbroadcast v47, $0x2;
	v41 =	vmul.f32 v54, v23;
	v39 =	vadd.f32 v39, v32  }
0x8c: {  	v60 =	vld [tilespmem:s29+$0x8B00];
	v59 =	vmul.f32 v44, v24;
	v40 =	vadd.f32 v57, v40  }
0x8d: {  	v61 =	vld [tilespmem:s28+$0x4000];
	v29 =	vbroadcast v47, $0x3;
	v48 =	vmul.f32 v55, v26;
	v39 =	vadd.f32 v41, v39  }
0x8e: {  	v63 =	vld [tilespmem:s29+$0x8E00];
	v62 =	vmul.f32 v45, v22;
	v40 =	vadd.f32 v59, v40  }
0x8f: {  	v50 =	vmul.f32 v56, v29;
	v56 =	vld [tilespmem:s28+$0x4300];
	v32 =	vbroadcast v47, $0x4;
	v39 =	vadd.f32 v48, v39  }
0x90: {  	v53 =	vld [tilespmem:s28+$0x4C00];
	v57 =	vmul.f32 v46, v21;
	v40 =	vadd.f32 v62, v40  }
0x91: {  	v51 =	vld [tilespmem:s28+$0x4600];
	v35 =	vbroadcast v47, $0x5;
	v43 =	vmul.f32 v58, v32;
	v58 =	vadd.f32 v50, v39  }
0x92: {  	v44 =	vmul.f32 v61, v19;
	v59 =	vld [tilespmem:s29+$0x9100];
	v42 =	vadd.f32 v57, v40  }
0x93: {  	v52 =	vld [tilespmem:s28+$0x4900];
	v37 =	vbroadcast v47, $0x6;
	v41 =	vmul.f32 v60, v35;
	v43 =	vadd.f32 v43, v58  }
0x94: {  	v42 =	vadd.f32 v44, v42;
	v61 =	vmul.f32 v56, v18;
	v60 =	vld [tilespmem:s29+$0x9400]  }
0x95: {  	v62 =	vld [tilespmem:s29+$0x9700];
	v45 =	vmul.f32 v63, v37;
	v39 =	vbroadcast v47, $0x7;
	v43 =	vadd.f32 v41, v43  }
0x96: {  	v51 =	vmul.f32 v51, v16;
	v54 =	vld [tilespmem:s28+$0x4F00];
	v44 =	vadd.f32 v61, v42  }
0x97: {  	v55 =	vld [tilespmem:s28+$0x5200];
	v40 =	vbroadcast v47, $0x8;
	v50 =	vmul.f32 v59, v39;
	v43 =	vadd.f32 v45, v43  }
0x98: {  	v44 =	vadd.f32 v51, v44;
	v63 =	vld [tilespmem:s29+$0x9A00];
	v59 =	vmul.f32 v52, v15  }
0x99: {  	v56 =	vld [tilespmem:s28+$0x5500];
	v46 =	vmul.f32 v60, v40;
	v41 =	vbroadcast v47, $0x9;
	v50 =	vadd.f32 v50, v43  }
0x9a: {  	v53 =	vmul.f32 v53, v14;
	v42 =	vbroadcast v47, $0xA;
	v60 =	vld [tilespmem:s29+$0x9D00];
	v51 =	vadd.f32 v59, v44  }
0x9b: {  	v61 =	vmul.f32 v54, v12;
	v54 =	vld [tilespmem:s28+$0x5800];
	v48 =	vmul.f32 v62, v41;
	v46 =	vadd.f32 v46, v50  }
0x9c: {  	v51 =	vadd.f32 v53, v51;
	v50 =	vld [tilespmem:s29+$0xA000]  }
0x9d: {  	v57 =	vmul.f32 v63, v42;
	v58 =	vld [tilespmem:s28+$0x5B00];
	v43 =	vbroadcast v47, $0xB;
	v46 =	vadd.f32 v48, v46  }
0x9e: {  	v62 =	vmul.f32 v55, v11;
	v51 =	vadd.f32 v61, v51;
	v48 =	vld [tilespmem:s29+$0xA300]  }
0x9f: {  	v44 =	vbroadcast v47, $0xC;
	v59 =	vld [tilespmem:s28+$0x5E00];
	v52 =	vmul.f32 v60, v43;
	v63 =	vadd.f32 v57, v46  }
0xa0: {  	v61 =	vmul.f32 v56, v9;
	v60 =	vld [tilespmem:s29+$0xA600];
	v51 =	vadd.f32 v62, v51  }
0xa1: {  	v45 =	vbroadcast v47, $0xD;
	v55 =	vld [tilespmem:s29+$0xA900];
	v50 =	vmul.f32 v50, v44;
	v52 =	vadd.f32 v52, v63  }
0xa2: {  	v53 =	vmul.f32 v54, v8;
	v51 =	vadd.f32 v61, v51  }
0xa3: {  	v46 =	vbroadcast v47, $0xE;
	v56 =	vmul.f32 v48, v45;
	v54 =	vadd.f32 v50, v52;
	v52 =	vld [tilespmem:s29+$0xAC00]  }
0xa4: {  	v62 =	vmul.f32 v58, v4;
	v47 =	vbroadcast v47, $0xF;
	v53 =	vadd.f32 v53, v51;
	v50 =	vld [tilespmem:s28+$0x6100]  }
0xa5: {  	v57 =	vmul.f32 v59, v1;
	v60 =	vmul.f32 v60, v46;
	v63 =	vadd.f32 v56, v54;
	v54 =	vld [tilespmem:s29+$0xAF00]  }
0xa6: {  	v51 =	vld [tilespmem:s28+$0x6400];
	v55 =	vmul.f32 v55, v47;
	v48 =	vbroadcast v49, $0x0  }
0xa7: {  	s30 =	sshll.u32 s25, $0x1;
	s31 =	simm.s32 $0x20;
	s0 =	simm.s32 $0xC0;
	v49 =	vbroadcast v49, $0x1;
	v56 =	vadd.f32 v62, v53;
	v53 =	vld [tilespmem:s28+$0x6700];
	v58 =	vadd.f32 v60, v63  }
.LBB2_3:
0xa8: {  	p1 =	sne.s32 s0, $0xBC0;
	v59 =	vld [tilespmem:s31+$0x1C00];
	v52 =	vmul.f32 v52, v48  }
0xa9: {  	v56 =	vadd.f32 v57, v56;
	v50 =	vmul.f32 v50, v0;
	v57 =	vld [tilespmem:s28+$0x6A00];
	v55 =	vadd.f32 v55, v58  }
0xaa: {  	v58 =	vld [tilespmem:s31+$0x1F00];
	v54 =	vmul.f32 v54, v49  }
0xab: {  	v50 =	vadd.f32 v50, v56;
	v51 =	vmul.f32 v51, v2;
	v56 =	vld [tilespmem:s28+$0x6D00];
	v52 =	vadd.f32 v52, v55  }
0xac: {  	v55 =	vld [tilespmem:s31+$0x2200];
	v53 =	vmul.f32 v53, v5  }
0xad: {  	v59 =	vmul.f32 v59, v38;
	v50 =	vadd.f32 v51, v50;
	v51 =	vld [tilespmem:s28+$0x7000];
	v52 =	vadd.f32 v54, v52  }
0xae: {  	v54 =	vld [tilespmem:s31+$0x2500];
	v57 =	vmul.f32 v57, v6  }
0xaf: {  	v59 =	vadd.f32 $0.0e+00, v59;
	v58 =	vmul.f32 v58, v36;
	v50 =	vadd.f32 v53, v50;
	v53 =	vld [tilespmem:s28+$0x7300];
	[tilespmem:s29+$0x14880] =	vst v52;
	s29 =	smov.u32 s28;
	s28 =	smov.u32 s31  }
0xb0: {  	v52 =	vld [tilespmem:s28+$0x2800];
	v56 =	vmul.f32 v56, v3  }
0xb1: {  	v58 =	vadd.f32 v58, v59;
	v55 =	vmul.f32 v55, v34;
	v50 =	vadd.f32 v57, v50;
	v57 =	vld [tilespmem:s29+$0x7600]  }
0xb2: {  	v59 =	vld [tilespmem:s28+$0x2B00];
	v51 =	vmul.f32 v51, v7  }
0xb3: {  	v55 =	vadd.f32 v55, v58;
	v54 =	vmul.f32 v54, v33;
	v50 =	vadd.f32 v56, v50;
	v56 =	vld [tilespmem:s29+$0x7900]  }
0xb4: {  	v58 =	vld [tilespmem:s28+$0x2E00];
	v53 =	vmul.f32 v53, v10  }
0xb5: {  	v54 =	vadd.f32 v54, v55;
	v52 =	vmul.f32 v52, v31;
	v50 =	vadd.f32 v51, v50;
	v51 =	vld [tilespmem:s29+$0x7C00]  }
0xb6: {  	v55 =	vld [tilespmem:s28+$0x3100];
	v57 =	vmul.f32 v57, v13  }
0xb7: {  	v52 =	vadd.f32 v52, v54;
	v54 =	vmul.f32 v59, v30;
	v50 =	vadd.f32 v53, v50;
	v53 =	vld [tilespmem:s29+$0x7F00]  }
0xb8: {  	v59 =	vld [tilespmem:s28+$0x3400];
	v56 =	vmul.f32 v56, v17  }
0xb9: {  	v52 =	vadd.f32 v54, v52;
	v54 =	vmul.f32 v58, v28;
	v50 =	vadd.f32 v57, v50;
	v57 =	vld [tilespmem:s29+$0x8200]  }
0xba: {  	v58 =	vld [tilespmem:s28+$0x3700];
	v51 =	vmul.f32 v51, v20  }
0xbb: {  	v52 =	vadd.f32 v54, v52;
	v54 =	vmul.f32 v55, v27;
	v50 =	vadd.f32 v56, v50;
	v55 =	vld [tilespmem:s29+$0x8500]  }
0xbc: {  	v56 =	vld [tilespmem:s28+$0x3A00];
	v53 =	vmul.f32 v53, v23  }
0xbd: {  	v52 =	vadd.f32 v54, v52;
	v54 =	vmul.f32 v59, v25;
	v50 =	vadd.f32 v51, v50;
	v51 =	vld [tilespmem:s29+$0x8800]  }
0xbe: {  	v59 =	vld [tilespmem:s28+$0x3D00];
	v57 =	vmul.f32 v57, v26  }
0xbf: {  	v52 =	vadd.f32 v54, v52;
	v54 =	vmul.f32 v58, v24;
	v50 =	vadd.f32 v53, v50;
	v53 =	vld [tilespmem:s29+$0x8B00]  }
0xc0: {  	v58 =	vld [tilespmem:s28+$0x4000];
	v55 =	vmul.f32 v55, v29  }
0xc1: {  	v52 =	vadd.f32 v54, v52;
	v54 =	vmul.f32 v56, v22;
	v50 =	vadd.f32 v57, v50;
	v56 =	vld [tilespmem:s29+$0x8E00]  }
0xc2: {  	v57 =	vld [tilespmem:s28+$0x4300];
	v51 =	vmul.f32 v51, v32  }
0xc3: {  	v52 =	vadd.f32 v54, v52;
	v54 =	vmul.f32 v59, v21;
	v50 =	vadd.f32 v55, v50;
	v55 =	vld [tilespmem:s29+$0x9100]  }
0xc4: {  	v59 =	vld [tilespmem:s28+$0x4600];
	v53 =	vmul.f32 v53, v35  }
0xc5: {  	v52 =	vadd.f32 v54, v52;
	v54 =	vmul.f32 v58, v19;
	v50 =	vadd.f32 v51, v50;
	v51 =	vld [tilespmem:s29+$0x9400]  }
0xc6: {  	v58 =	vld [tilespmem:s28+$0x4900];
	v56 =	vmul.f32 v56, v37  }
0xc7: {  	v52 =	vadd.f32 v54, v52;
	v54 =	vmul.f32 v57, v18;
	v50 =	vadd.f32 v53, v50;
	v53 =	vld [tilespmem:s29+$0x9700]  }
0xc8: {  	v57 =	vld [tilespmem:s28+$0x4C00];
	v55 =	vmul.f32 v55, v39  }
0xc9: {  	v52 =	vadd.f32 v54, v52;
	v54 =	vmul.f32 v59, v16;
	v50 =	vadd.f32 v56, v50;
	v56 =	vld [tilespmem:s29+$0x9A00]  }
0xca: {  	v59 =	vld [tilespmem:s28+$0x4F00];
	v51 =	vmul.f32 v51, v40  }
0xcb: {  	v52 =	vadd.f32 v54, v52;
	v54 =	vmul.f32 v58, v15;
	v50 =	vadd.f32 v55, v50;
	v55 =	vld [tilespmem:s29+$0x9D00]  }
0xcc: {  	v58 =	vld [tilespmem:s28+$0x5200];
	v53 =	vmul.f32 v53, v41  }
0xcd: {  	v52 =	vadd.f32 v54, v52;
	v54 =	vmul.f32 v57, v14;
	v50 =	vadd.f32 v51, v50;
	v51 =	vld [tilespmem:s29+$0xA000]  }
0xce: {  	v57 =	vld [tilespmem:s28+$0x5500];
	v56 =	vmul.f32 v56, v42  }
0xcf: {  	v52 =	vadd.f32 v54, v52;
	v54 =	vmul.f32 v59, v12;
	v50 =	vadd.f32 v53, v50;
	v53 =	vld [tilespmem:s29+$0xA300]  }
0xd0: {  	v59 =	vld [tilespmem:s28+$0x5800];
	v55 =	vmul.f32 v55, v43  }
0xd1: {  	v52 =	vadd.f32 v54, v52;
	v54 =	vmul.f32 v58, v11;
	v50 =	vadd.f32 v56, v50;
	v56 =	vld [tilespmem:s29+$0xA600]  }
0xd2: {  	v58 =	vld [tilespmem:s28+$0x5B00];
	v51 =	vmul.f32 v51, v44  }
0xd3: {  	v52 =	vadd.f32 v54, v52;
	v54 =	vmul.f32 v57, v9;
	v50 =	vadd.f32 v55, v50;
	v55 =	vld [tilespmem:s29+$0xA900]  }
0xd4: {  	v57 =	vld [tilespmem:s28+$0x5E00];
	v53 =	vmul.f32 v53, v45  }
.Ltmp0:
0xd5: {  	v54 =	vadd.f32 v54, v52;
	v59 =	vmul.f32 v59, v8;
	v51 =	vadd.f32 v51, v50;
	v52 =	vld [tilespmem:s29+$0xAC00];
	(pc) =	sbr.rel @p1 .LBB2_3-.Ltmp0, $4  }
0xd6: {  	v50 =	vld [tilespmem:s28+$0x6100];
	v60 =	vmul.f32 v56, v46  }
0xd7: {  	v56 =	vadd.f32 v59, v54;
	v58 =	vmul.f32 v58, v4;
	v59 =	vadd.f32 v53, v51;
	v54 =	vld [tilespmem:s29+$0xAF00]  }
0xd8: {  	v51 =	vld [tilespmem:s28+$0x6400];
	v55 =	vmul.f32 v55, v47  }
0xd9: {  	s31 =	sshra.s32 s0, $0x2;
	s0 =	sadd.s32 $0x40, s0;
	v56 =	vadd.f32 v58, v56;
	v57 =	vmul.f32 v57, v1;
	v53 =	vld [tilespmem:s28+$0x6700];
	v58 =	vadd.f32 v60, v59  }
0xda: {  	v59 =	vld [tilespmem:s31+$0x1C00]  }
0xdb: {  	v60 =	vld [tilespmem:s28+$0x6A00];
	v52 =	vmul.f32 v52, v48;
	v55 =	vadd.f32 v55, v58  }
0xdc: {  	v61 =	vld [tilespmem:s31+$0x1F00];
	v56 =	vadd.f32 v57, v56;
	v50 =	vmul.f32 v50, v0  }
0xdd: {  	v62 =	vld [tilespmem:s28+$0x6D00];
	v54 =	vmul.f32 v54, v49;
	v52 =	vadd.f32 v52, v55  }
0xde: {  	v63 =	vld [tilespmem:s31+$0x2200];
	v50 =	vadd.f32 v50, v56  }
0xdf: {  	v51 =	vmul.f32 v51, v2;
	v56 =	vld [tilespmem:s28+$0x7000];
	v38 =	vmul.f32 v59, v38;
	v52 =	vadd.f32 v54, v52  }
0xe0: {  	v53 =	vmul.f32 v53, v5;
	v54 =	vld [tilespmem:s31+$0x2500]  }
0xe1: {  	v50 =	vadd.f32 v51, v50;
	v51 =	vld [tilespmem:s28+$0x7300];
	v36 =	vmul.f32 v61, v36;
	v38 =	vadd.f32 $0.0e+00, v38;
	[tilespmem:s29+$0x14880] =	vst v52  }
0xe2: {  	v60 =	vmul.f32 v60, v6;
	v61 =	vld [tilespmem:s31+$0x2800]  }
0xe3: {  	v34 =	vmul.f32 v63, v34;
	v50 =	vadd.f32 v53, v50;
	v36 =	vadd.f32 v36, v38  }
0xe4: {  	v62 =	vmul.f32 v62, v3;
	v53 =	vld [tilespmem:s31+$0x2B00]  }
0xe5: {  	v63 =	vld [tilespmem:s28+$0x7600];
	v50 =	vadd.f32 v60, v50;
	v33 =	vmul.f32 v54, v33;
	v34 =	vadd.f32 v34, v36  }
0xe6: {  	v57 =	vmul.f32 v56, v7;
	v54 =	vld [tilespmem:s31+$0x2E00]  }
0xe7: {  	v59 =	vld [tilespmem:s28+$0x7900];
	v38 =	vadd.f32 v62, v50;
	v33 =	vadd.f32 v33, v34;
	v31 =	vmul.f32 v61, v31  }
0xe8: {  	v60 =	vmul.f32 v51, v10;
	v61 =	vld [tilespmem:s31+$0x3100]  }
0xe9: {  	v56 =	vld [tilespmem:s31+$0x3400];
	v36 =	vadd.f32 v57, v38;
	v30 =	vmul.f32 v53, v30;
	v31 =	vadd.f32 v31, v33  }
0xea: {  	v62 =	vld [tilespmem:s28+$0x7C00];
	v63 =	vmul.f32 v63, v13  }
0xeb: {  	v58 =	vld [tilespmem:s31+$0x3700];
	v34 =	vadd.f32 v60, v36;
	v28 =	vmul.f32 v54, v28;
	v30 =	vadd.f32 v30, v31  }
0xec: {  	v57 =	vld [tilespmem:s28+$0x7F00];
	v31 =	vmul.f32 v59, v17  }
0xed: {  	v60 =	vld [tilespmem:s31+$0x3A00];
	v33 =	vadd.f32 v63, v34;
	v27 =	vmul.f32 v61, v27;
	v28 =	vadd.f32 v28, v30  }
0xee: {  	v25 =	vmul.f32 v56, v25;
	v59 =	vld [tilespmem:s28+$0x8200]  }
0xef: {  	v30 =	vmul.f32 v62, v20;
	v31 =	vadd.f32 v31, v33;
	v62 =	vld [tilespmem:s31+$0x3D00];
	v27 =	vadd.f32 v27, v28  }
0xf0: {  	v24 =	vmul.f32 v58, v24;
	v61 =	vld [tilespmem:s28+$0x8500]  }
0xf1: {  	v28 =	vmul.f32 v57, v23;
	v30 =	vadd.f32 v30, v31;
	v31 =	vld [tilespmem:s28+$0x8800];
	v25 =	vadd.f32 v25, v27  }
0xf2: {  	v63 =	vld [tilespmem:s31+$0x4000];
	v22 =	vmul.f32 v60, v22  }
0xf3: {  	v27 =	vmul.f32 v59, v26;
	v28 =	vadd.f32 v28, v30;
	v30 =	vld [tilespmem:s28+$0x8B00];
	v24 =	vadd.f32 v24, v25  }
0xf4: {  	v38 =	vld [tilespmem:s31+$0x4300];
	v21 =	vmul.f32 v62, v21  }
0xf5: {  	v25 =	vmul.f32 v61, v29;
	v27 =	vadd.f32 v27, v28;
	v28 =	vld [tilespmem:s28+$0x8E00];
	v22 =	vadd.f32 v22, v24  }
0xf6: {  	v24 =	vmul.f32 v31, v32;
	v31 =	vld [tilespmem:s31+$0x4600]  }
0xf7: {  	v19 =	vmul.f32 v63, v19;
	v25 =	vadd.f32 v25, v27;
	v27 =	vld [tilespmem:s28+$0x9100];
	v21 =	vadd.f32 v21, v22  }
0xf8: {  	v22 =	vmul.f32 v30, v35;
	v30 =	vld [tilespmem:s31+$0x4900]  }
0xf9: {  	v18 =	vmul.f32 v38, v18;
	v24 =	vadd.f32 v24, v25;
	v25 =	vld [tilespmem:s28+$0x9400];
	v19 =	vadd.f32 v19, v21  }
0xfa: {  	v21 =	vmul.f32 v28, v37;
	v28 =	vld [tilespmem:s31+$0x4C00]  }
0xfb: {  	v22 =	vadd.f32 v22, v24;
	v24 =	vld [tilespmem:s28+$0x9700];
	v16 =	vmul.f32 v31, v16;
	v18 =	vadd.f32 v18, v19  }
0xfc: {  	v19 =	vmul.f32 v27, v39;
	v27 =	vld [tilespmem:s31+$0x4F00]  }
0xfd: {  	v21 =	vadd.f32 v21, v22;
	v22 =	vld [tilespmem:s28+$0x9A00];
	v15 =	vmul.f32 v30, v15;
	v16 =	vadd.f32 v16, v18  }
0xfe: {  	v18 =	vmul.f32 v25, v40;
	v25 =	vld [tilespmem:s31+$0x5200]  }
0xff: {  	v19 =	vadd.f32 v19, v21;
	v21 =	vld [tilespmem:s28+$0x9D00];
	v14 =	vmul.f32 v28, v14;
	v15 =	vadd.f32 v15, v16  }
0x100: {  	v16 =	vmul.f32 v24, v41;
	v24 =	vld [tilespmem:s31+$0x5500]  }
0x101: {  	v18 =	vadd.f32 v18, v19;
	v19 =	vld [tilespmem:s28+$0xA000];
	v12 =	vmul.f32 v27, v12;
	v14 =	vadd.f32 v14, v15  }
0x102: {  	v15 =	vmul.f32 v22, v42;
	v22 =	vld [tilespmem:s31+$0x5800]  }
0x103: {  	v16 =	vadd.f32 v16, v18;
	v18 =	vld [tilespmem:s28+$0xA300];
	v11 =	vmul.f32 v25, v11;
	v12 =	vadd.f32 v12, v14  }
0x104: {  	v14 =	vmul.f32 v21, v43;
	v21 =	vld [tilespmem:s31+$0x5B00]  }
0x105: {  	v15 =	vadd.f32 v15, v16;
	v16 =	vld [tilespmem:s28+$0xA600];
	v9 =	vmul.f32 v24, v9;
	v11 =	vadd.f32 v11, v12  }
0x106: {  	v12 =	vmul.f32 v19, v44;
	v19 =	vld [tilespmem:s31+$0x5E00]  }
0x107: {  	v14 =	vadd.f32 v14, v15;
	v15 =	vld [tilespmem:s28+$0xA900];
	v8 =	vmul.f32 v22, v8;
	v9 =	vadd.f32 v9, v11  }
0x108: {  	v11 =	vmul.f32 v18, v45;
	v18 =	vld [tilespmem:s31+$0x6100]  }
0x109: {  	v12 =	vadd.f32 v12, v14;
	v14 =	vld [tilespmem:s28+$0xAC00];
	v4 =	vmul.f32 v21, v4;
	v8 =	vadd.f32 v8, v9  }
0x10a: {  	v9 =	vmul.f32 v16, v46;
	v16 =	vld [tilespmem:s31+$0x6400]  }
0x10b: {  	v11 =	vadd.f32 v11, v12;
	v12 =	vld [tilespmem:s28+$0xAF00];
	v1 =	vmul.f32 v19, v1;
	v4 =	vadd.f32 v4, v8  }
0x10c: {  	v8 =	vmul.f32 v15, v47;
	v15 =	vld [tilespmem:s31+$0x6700]  }
0x10d: {  	v9 =	vadd.f32 v9, v11;
	v0 =	vmul.f32 v18, v0;
	v1 =	vadd.f32 v1, v4  }
0x10e: {  	v11 =	vld [tilespmem:s31+$0x6A00];
	v4 =	vmul.f32 v14, v48  }
0x10f: {  	v8 =	vadd.f32 v8, v9;
	v0 =	vadd.f32 v0, v1;
	v1 =	vmul.f32 v16, v2  }
0x110: {  	v9 =	vld [tilespmem:s31+$0x6D00];
	v2 =	vmul.f32 v12, v49  }
0x111: {  	v4 =	vadd.f32 v4, v8;
	v5 =	vmul.f32 v15, v5;
	v0 =	vadd.f32 v1, v0  }
0x112: {  	v1 =	vld [tilespmem:s31+$0x7000]  }
0x113: {  	v2 =	vadd.f32 v2, v4;
	v4 =	vmul.f32 v11, v6;
	v0 =	vadd.f32 v5, v0  }
0x114: {  	v5 =	vld [tilespmem:s31+$0x7300]  }
0x115: {  	[tilespmem:s28+$0x14880] =	vst v2;
	v2 =	vmul.f32 v9, v3;
	v0 =	vadd.f32 v4, v0  }
0x116: {  	v3 =	vld [tilespmem:s31+$0x7600]  }
0x117: {  	v1 =	vmul.f32 v1, v7;
	v0 =	vadd.f32 v2, v0  }
0x118: {  	v2 =	vld [tilespmem:s31+$0x7900]  }
0x119: {  	v4 =	vmul.f32 v5, v10;
	v0 =	vadd.f32 v1, v0  }
0x11a: {  	v1 =	vld [tilespmem:s31+$0x7C00]  }
0x11b: {  	v3 =	vmul.f32 v3, v13;
	v0 =	vadd.f32 v4, v0  }
0x11c: {  	v4 =	vld [tilespmem:s31+$0x7F00]  }
0x11d: {  	v2 =	vmul.f32 v2, v17;
	v0 =	vadd.f32 v3, v0  }
0x11e: {  	v3 =	vld [tilespmem:s31+$0x8200]  }
0x11f: {  	v1 =	vmul.f32 v1, v20;
	v0 =	vadd.f32 v2, v0  }
0x120: {  	v2 =	vld [tilespmem:s31+$0x8500]  }
0x121: {  	v4 =	vmul.f32 v4, v23;
	v0 =	vadd.f32 v1, v0  }
0x122: {  	v1 =	vld [tilespmem:s31+$0x8800]  }
0x123: {  	v3 =	vmul.f32 v3, v26;
	v0 =	vadd.f32 v4, v0  }
0x124: {  	v4 =	vld [tilespmem:s31+$0x8B00]  }
0x125: {  	v2 =	vmul.f32 v2, v29;
	v0 =	vadd.f32 v3, v0  }
0x126: {  	v3 =	vld [tilespmem:s31+$0x8E00]  }
0x127: {  	v1 =	vmul.f32 v1, v32;
	v0 =	vadd.f32 v2, v0  }
0x128: {  	v2 =	vld [tilespmem:s31+$0x9100]  }
0x129: {  	v4 =	vmul.f32 v4, v35;
	v0 =	vadd.f32 v1, v0  }
0x12a: {  	v1 =	vld [tilespmem:s31+$0x9400]  }
0x12b: {  	v3 =	vmul.f32 v3, v37;
	v0 =	vadd.f32 v4, v0  }
0x12c: {  	v4 =	vld [tilespmem:s31+$0x9700]  }
0x12d: {  	v2 =	vmul.f32 v2, v39;
	v0 =	vadd.f32 v3, v0  }
0x12e: {  	v3 =	vld [tilespmem:s31+$0x9A00]  }
0x12f: {  	v1 =	vmul.f32 v1, v40;
	v0 =	vadd.f32 v2, v0  }
0x130: {  	v2 =	vld [tilespmem:s31+$0x9D00]  }
0x131: {  	v4 =	vmul.f32 v4, v41;
	v0 =	vadd.f32 v1, v0  }
0x132: {  	v1 =	vld [tilespmem:s31+$0xA000]  }
0x133: {  	v3 =	vmul.f32 v3, v42;
	v0 =	vadd.f32 v4, v0  }
0x134: {  	v4 =	vld [tilespmem:s31+$0xA300]  }
0x135: {  	v2 =	vmul.f32 v2, v43;
	v0 =	vadd.f32 v3, v0  }
0x136: {  	v3 =	vld [tilespmem:s31+$0xA600]  }
0x137: {  	v1 =	vmul.f32 v1, v44;
	v0 =	vadd.f32 v2, v0  }
0x138: {  	v2 =	vld [tilespmem:s31+$0xA900]  }
0x139: {  	v4 =	vmul.f32 v4, v45;
	v0 =	vadd.f32 v1, v0  }
0x13a: {  	v1 =	vld [tilespmem:s31+$0xAC00]  }
0x13b: {  	v3 =	vmul.f32 v3, v46;
	v0 =	vadd.f32 v4, v0  }
0x13c: {  	v4 =	vld [tilespmem:s31+$0xAF00]  }
0x13d: {  	v2 =	vmul.f32 v2, v47;
	v0 =	vadd.f32 v3, v0;
	_ =	sdelay $0x1  }
0x13e: {  	v1 =	vmul.f32 v1, v48;
	v0 =	vadd.f32 v2, v0;
	_ =	sdelay $0x1  }
0x13f: {  	v2 =	vmul.f32 v4, v49;
	v0 =	vadd.f32 v1, v0  }
0x140: {  	s0 =	sadd.s32 s6, s30  }
0x141: {  	s0 =	smul.u32 $0x60, s0;
	v0 =	vadd.f32 v2, v0  }
0x142: {  	p1 =	seq.s32 s25, $0x3F  }
0x143: {  	s0 =	sadd.s32 s5, s0;
	s28 =	smul.u32 @!p1 $0x1C0, s25;
	[tilespmem:s31+$0x14880] =	vst v0  }
0x144: {  	[hbm4b:s0+s3] =	stream.linear.scatter [tilespmem:s18], [sflag:$0x5], $0x300, $0x38;
	[tilespmem:$0x14E80] =	vst v63  }
0x145: {  	s0 =	sshra.s32 @!p1 s28, $0x2  }
0x146: {  	s29 =	simm.s32 @!p1 $0x1C00;
	s28 =	simm.s32 @!p1 $0x32;
	s0 =	sadd.s32 @!p1 $0x70, s0  }
0x147: {  	[tilespmem:s29], [sflag:$0x1] =	stream.indirect.gather @!p1 [hbm4b:s4+s28], $0x300, s0, s28, $0xb8;
	[tilespmem:$0x14E80] =	vst v63  }
0x148: {  	s28 =	simm.s32 @!p1 $0x38;
	s29 =	simm.s32 @!p1 $0x14800  }
0x149: {  	[tilespmem:s29], [sflag:$0x3] =	stream.indirect.gather @!p1 [hbm4b:s2+s28], $0x1, s0, s28, $0xb8;
	[tilespmem:$0x14E80] =	vst v63  }
0x14a: {  	_ =	swait.ge [sflag:s19], $0x38  }
0x14b: {  	[sflag:s19] =	ssyncset.done $0x0  }
0x14c: {  	[sflag:s19] =	ssyncadd.s32 $0xFFFFFFC8  }
0x14d: {  	_ =	swait.ge [sflag:s20], $0x9600  }
0x14e: {  	[sflag:s20] =	ssyncset.done $0x0  }
0x14f: {  	s0 =	simm.s32 @!p0 $0x6;
	[sflag:s20] =	ssyncadd.s32 $0xFFFF6A00  }
0x150: {  	_ =	swait.ge @!p0 [sflag:s0], $0x300  }
0x151: {  	[sflag:s0] =	ssyncset.done @!p0 $0x0  }
0x152: {  	[sflag:s0] =	ssyncadd.s32 @!p0 $0xFFFFFD00  }
0x153: {  	v0 =	vld [tilespmem:$0x14840]  }
0x154: {  	v1 =	vld [tilespmem:$0x14850]  }
0x155: {  	v2 =	vld [tilespmem:$0x14870]  }
0x156: {  	v3 =	vld [tilespmem:$0x14860];
	_ =	sdelay $0x3  }
0x157: {  	v2 =	vnsel vm0, $0xF149F2CA, v2  }
0x158: {  	v4 =	vmax.f32 v0, v1;
	v5 =	vmax.f32 v3, v2  }
0x159: {  	v4 =	vmax.f32 v4, v5  }
0x15a: {  	(xrf0) =	vmax.scan.msk.f32 $0xffff, v4;
	_ =	sdelay $0x5  }
0x15b: {  	v4, _, _ =	vpop (xrf0)  }
0x15c: {  	v4 =	vbroadcast v4, $0xF;
	_ =	sdelay $0x1  }
0x15d: {  	v0 =	vsub.f32 v0, v4  }
0x15e: {  	v1 =	vsub.f32 v1, v4  }
0x15f: {  	v0 =	vmul.f32 $1.442695020e+00, v0  }
0x160: {  	v3 =	vsub.f32 v3, v4;
	v1 =	vmul.f32 $1.442695020e+00, v1  }
0x161: {  	(erf) = vpow2.f32 v0;
	v0 =	vsub.f32 v2, v4  }
0x162: {  	(erf) = vpow2.f32 v1;
	v1 =	vmul.f32 $1.442695020e+00, v3  }
0x163: {  	v0 =	vmul.f32 $1.442695020e+00, v0  }
0x164: {  	(erf) = vpow2.f32 v1  }
0x165: {  	(erf) = vpow2.f32 v0;
	_ =	sdelay $0x4  }
0x166: {  	v0 =	vpop (erf)  }
0x167: {  	v1 =	vpop (erf)  }
0x168: {  	v2 =	vadd.f32 v1, v0  }
0x169: {  	v3 =	vpop (erf)  }
0x16a: {  	v4 =	vpop (erf);
	v2 =	vadd.f32 v2, v3  }
0x16b: {  	v5 =	vnsel vm0, $0x0, v4  }
0x16c: {  	v2 =	vadd.f32 v2, v5;
	_ =	sdelay $0x1  }
0x16d: {  	(xrf2) =	vadd.scan.msk.f32 $0xffff, v2;
	_ =	sdelay $0x9  }
0x16e: {  	v2, _, _ =	vpop (xrf2)  }
0x16f: {  	v2 =	vbroadcast v2, $0xF;
	_ =	sdelay $0x1  }
0x170: {  	(erf) = vrcp.f32 v2;
	_ =	sdelay $0x7  }
0x171: {  	s29 =	simm.s32 $0x0  }
0x172: {  	v2 =	vld [tilespmem:s29+$0xB200];
	v6 =	vpop (erf)  }
0x173: {  	v0 =	vmul.f32 v6, v0  }
0x174: {  	v4 =	vld [tilespmem:s29+$0xB500]  }
0x175: {  	v38 =	vbroadcast v0, $0x0  }
0x176: {  	v7 =	vld [tilespmem:s29+$0xB800]  }
0x177: {  	v36 =	vbroadcast v0, $0x1;
	v2 =	vmul.f32 v2, v38  }
0x178: {  	v8 =	vld [tilespmem:s29+$0xBB00]  }
0x179: {  	v34 =	vbroadcast v0, $0x2;
	v4 =	vmul.f32 v4, v36;
	v2 =	vadd.f32 $0.0e+00, v2  }
0x17a: {  	v9 =	vld [tilespmem:s29+$0xBE00]  }
0x17b: {  	v33 =	vbroadcast v0, $0x3;
	v2 =	vadd.f32 v4, v2;
	v4 =	vmul.f32 v7, v34  }
0x17c: {  	v7 =	vld [tilespmem:s29+$0xC100]  }
0x17d: {  	v31 =	vbroadcast v0, $0x4;
	v2 =	vadd.f32 v4, v2;
	v4 =	vmul.f32 v8, v33  }
0x17e: {  	v8 =	vld [tilespmem:s29+$0xC400]  }
0x17f: {  	v30 =	vbroadcast v0, $0x5;
	v2 =	vadd.f32 v4, v2;
	v4 =	vmul.f32 v9, v31  }
0x180: {  	v9 =	vld [tilespmem:s29+$0xC700]  }
0x181: {  	v28 =	vbroadcast v0, $0x6;
	v2 =	vadd.f32 v4, v2;
	v4 =	vmul.f32 v7, v30  }
0x182: {  	v7 =	vld [tilespmem:s29+$0xCA00]  }
0x183: {  	v27 =	vbroadcast v0, $0x7;
	v2 =	vadd.f32 v4, v2;
	v4 =	vmul.f32 v8, v28  }
0x184: {  	v8 =	vld [tilespmem:s29+$0xCD00]  }
0x185: {  	v25 =	vbroadcast v0, $0x8;
	v2 =	vadd.f32 v4, v2;
	v4 =	vmul.f32 v9, v27  }
0x186: {  	v9 =	vld [tilespmem:s29+$0xD000]  }
0x187: {  	v24 =	vbroadcast v0, $0x9;
	v2 =	vadd.f32 v4, v2;
	v4 =	vmul.f32 v7, v25  }
0x188: {  	v7 =	vld [tilespmem:s29+$0xD300]  }
0x189: {  	v22 =	vbroadcast v0, $0xA;
	v2 =	vadd.f32 v4, v2;
	v4 =	vmul.f32 v8, v24  }
0x18a: {  	v8 =	vld [tilespmem:s29+$0xD600]  }
0x18b: {  	v21 =	vbroadcast v0, $0xB;
	v2 =	vadd.f32 v4, v2;
	v4 =	vmul.f32 v9, v22  }
0x18c: {  	v9 =	vld [tilespmem:s29+$0xD900]  }
0x18d: {  	v19 =	vbroadcast v0, $0xC;
	v2 =	vadd.f32 v4, v2;
	v4 =	vmul.f32 v7, v21  }
0x18e: {  	v7 =	vld [tilespmem:s29+$0xDC00]  }
0x18f: {  	v18 =	vbroadcast v0, $0xD;
	v2 =	vadd.f32 v4, v2;
	v4 =	vmul.f32 v8, v19  }
0x190: {  	v8 =	vld [tilespmem:s29+$0xDF00]  }
0x191: {  	v16 =	vbroadcast v0, $0xE;
	v2 =	vadd.f32 v4, v2;
	v4 =	vmul.f32 v9, v18  }
0x192: {  	v17 =	vmul.f32 v6, v1;
	v1 =	vld [tilespmem:s29+$0xE200]  }
0x193: {  	v15 =	vbroadcast v0, $0xF;
	v0 =	vadd.f32 v4, v2;
	v2 =	vmul.f32 v7, v16  }
0x194: {  	v4 =	vld [tilespmem:s29+$0xE500]  }
0x195: {  	v14 =	vbroadcast v17, $0x0;
	v0 =	vadd.f32 v2, v0;
	v2 =	vmul.f32 v8, v15  }
0x196: {  	v7 =	vld [tilespmem:s29+$0xE800]  }
0x197: {  	v12 =	vbroadcast v17, $0x1;
	v1 =	vmul.f32 v1, v14;
	v0 =	vadd.f32 v2, v0  }
0x198: {  	v2 =	vld [tilespmem:s29+$0xEB00]  }
0x199: {  	v11 =	vbroadcast v17, $0x2;
	v0 =	vadd.f32 v1, v0;
	v1 =	vmul.f32 v4, v12  }
0x19a: {  	v10 =	vld [tilespmem:s29+$0xEE00]  }
0x19b: {  	v9 =	vbroadcast v17, $0x3;
	v0 =	vadd.f32 v1, v0;
	v1 =	vmul.f32 v7, v11  }
0x19c: {  	v7 =	vld [tilespmem:s29+$0xF100]  }
0x19d: {  	v8 =	vbroadcast v17, $0x4;
	v0 =	vadd.f32 v1, v0;
	v1 =	vmul.f32 v2, v9  }
0x19e: {  	v2 =	vld [tilespmem:s29+$0xF400]  }
0x19f: {  	v10 =	vmul.f32 v10, v8;
	v4 =	vbroadcast v17, $0x5;
	v0 =	vadd.f32 v1, v0  }
0x1a0: {  	v13 =	vld [tilespmem:s29+$0xF700]  }
0x1a1: {  	v20 =	vld [tilespmem:s29+$0xFA00];
	v1 =	vbroadcast v17, $0x6;
	v7 =	vmul.f32 v7, v4;
	v10 =	vadd.f32 v10, v0  }
0x1a2: {  	s28 =	simm.s32 $0x10;
	v23 =	vld [tilespmem:s29+$0xFD00]  }
0x1a3: {  	v26 =	vld [tilespmem:s28+$0xB200];
	v0 =	vbroadcast v17, $0x7;
	v7 =	vadd.f32 v7, v10;
	v10 =	vmul.f32 v2, v1  }
0x1a4: {  	v29 =	vld [tilespmem:s28+$0xB500]  }
0x1a5: {  	v48 =	vld [tilespmem:s28+$0xB800];
	v2 =	vbroadcast v17, $0x8;
	v7 =	vadd.f32 v10, v7;
	v10 =	vmul.f32 v13, v0  }
0x1a6: {  	v49 =	vmul.f32 v6, v5;
	v13 =	vld [tilespmem:s29+$0x10000]  }
0x1a7: {  	v50 =	vld [tilespmem:s29+$0x10600];
	v5 =	vbroadcast v17, $0x9;
	v7 =	vadd.f32 v10, v7;
	v10 =	vmul.f32 v20, v2  }
0x1a8: {  	v47 =	vmul.f32 v6, v3;
	v26 =	vmul.f32 v26, v38;
	v20 =	vld [tilespmem:s29+$0x10300]  }
0x1a9: {  	v51 =	vld [tilespmem:s28+$0xBB00];
	v6 =	vbroadcast v17, $0xA;
	v23 =	vmul.f32 v23, v5;
	v10 =	vadd.f32 v10, v7  }
0x1aa: {  	v52 =	vld [tilespmem:s29+$0x10900];
	v29 =	vmul.f32 v29, v36;
	v26 =	vadd.f32 $0.0e+00, v26  }
0x1ab: {  	v53 =	vld [tilespmem:s28+$0xBE00];
	v3 =	vbroadcast v17, $0xB;
	v13 =	vmul.f32 v13, v6;
	v23 =	vadd.f32 v23, v10  }
0x1ac: {  	v54 =	vld [tilespmem:s29+$0x10C00];
	v26 =	vadd.f32 v29, v26;
	v29 =	vmul.f32 v48, v34  }
0x1ad: {  	v55 =	vld [tilespmem:s28+$0xC100];
	v7 =	vbroadcast v17, $0xC;
	v20 =	vmul.f32 v20, v3;
	v23 =	vadd.f32 v13, v23  }
0x1ae: {  	v56 =	vld [tilespmem:s29+$0x10F00];
	v26 =	vadd.f32 v29, v26;
	v29 =	vmul.f32 v51, v33  }
0x1af: {  	v57 =	vld [tilespmem:s28+$0xC400];
	v10 =	vbroadcast v17, $0xD;
	v35 =	vmul.f32 v50, v7;
	v20 =	vadd.f32 v20, v23  }
0x1b0: {  	v59 =	vld [tilespmem:s28+$0xC700];
	v26 =	vadd.f32 v29, v26;
	v29 =	vmul.f32 v53, v31  }
0x1b1: {  	v62 =	vld [tilespmem:s29+$0x11800];
	v13 =	vbroadcast v17, $0xE;
	v23 =	vmul.f32 v52, v10;
	v35 =	vadd.f32 v35, v20  }
0x1b2: {  	v58 =	vld [tilespmem:s29+$0x11200];
	v26 =	vadd.f32 v29, v26;
	v29 =	vmul.f32 v55, v30  }
0x1b3: {  	v61 =	vld [tilespmem:s28+$0xCA00];
	v17 =	vbroadcast v17, $0xF;
	v32 =	vmul.f32 v54, v13;
	v35 =	vadd.f32 v23, v35  }
0x1b4: {  	v60 =	vld [tilespmem:s29+$0x11500];
	v42 =	vmul.f32 v57, v28;
	v29 =	vadd.f32 v29, v26;
	v26 =	vbroadcast v47, $0x2  }
0x1b5: {  	v63 =	vld [tilespmem:s28+$0xCD00];
	v37 =	vmul.f32 v56, v17;
	v20 =	vbroadcast v47, $0x0;
	v32 =	vadd.f32 v32, v35  }
0x1b6: {  	v40 =	vmul.f32 v59, v27;
	v42 =	vadd.f32 v42, v29;
	v59 =	vmul.f32 v62, v26;
	v62 =	vld [tilespmem:s28+$0xD600]  }
0x1b7: {  	v53 =	vld [tilespmem:s28+$0xD000];
	v23 =	vbroadcast v47, $0x1;
	v39 =	vmul.f32 v58, v20;
	v32 =	vadd.f32 v37, v32  }
0x1b8: {  	v40 =	vadd.f32 v40, v42;
	v52 =	vld [tilespmem:s29+$0x11B00];
	v54 =	vmul.f32 v61, v25  }
0x1b9: {  	v56 =	vld [tilespmem:s28+$0xD300];
	v41 =	vmul.f32 v60, v23;
	v39 =	vadd.f32 v39, v32  }
0x1ba: {  	v55 =	vld [tilespmem:s29+$0x11E00];
	v40 =	vadd.f32 v54, v40;
	v60 =	vmul.f32 v63, v24  }
0x1bb: {  	v29 =	vbroadcast v47, $0x3;
	v44 =	vmul.f32 v62, v19;
	v62 =	vld [tilespmem:s28+$0xDF00];
	v39 =	vadd.f32 v41, v39  }
0x1bc: {  	v61 =	vld [tilespmem:s29+$0x12100];
	v58 =	vmul.f32 v53, v22;
	v40 =	vadd.f32 v60, v40  }
0x1bd: {  	v57 =	vmul.f32 v52, v29;
	v63 =	vld [tilespmem:s28+$0xD900];
	v32 =	vbroadcast v47, $0x4;
	v39 =	vadd.f32 v59, v39  }
0x1be: {  	v54 =	vmul.f32 v56, v21;
	v40 =	vadd.f32 v58, v40;
	v59 =	vld [tilespmem:s29+$0x12400]  }
0x1bf: {  	v35 =	vbroadcast v47, $0x5;
	v60 =	vld [tilespmem:s28+$0xDC00];
	v43 =	vmul.f32 v55, v32;
	v55 =	vadd.f32 v57, v39  }
0x1c0: {  	v56 =	vld [tilespmem:s29+$0x12700];
	v42 =	vadd.f32 v54, v40  }
0x1c1: {  	v37 =	vbroadcast v47, $0x6;
	v58 =	vld [tilespmem:s29+$0x12D00];
	v41 =	vmul.f32 v61, v35;
	v43 =	vadd.f32 v43, v55  }
0x1c2: {  	v61 =	vld [tilespmem:s29+$0x12A00];
	v42 =	vadd.f32 v44, v42;
	v57 =	vmul.f32 v63, v18  }
0x1c3: {  	v39 =	vbroadcast v47, $0x7;
	v45 =	vmul.f32 v59, v37;
	v59 =	vld [tilespmem:s28+$0xE200];
	v43 =	vadd.f32 v41, v43  }
0x1c4: {  	v54 =	vld [tilespmem:s28+$0xE500];
	v51 =	vmul.f32 v60, v16;
	v44 =	vadd.f32 v57, v42  }
0x1c5: {  	v40 =	vbroadcast v47, $0x8;
	v63 =	vld [tilespmem:s29+$0x13000];
	v50 =	vmul.f32 v56, v39;
	v43 =	vadd.f32 v45, v43  }
0x1c6: {  	v60 =	vmul.f32 v62, v15;
	v62 =	vld [tilespmem:s28+$0xE800];
	v44 =	vadd.f32 v51, v44  }
0x1c7: {  	v46 =	vmul.f32 v61, v40;
	v61 =	vld [tilespmem:s29+$0x13300];
	v41 =	vbroadcast v47, $0x9;
	v50 =	vadd.f32 v50, v43  }
0x1c8: {  	v42 =	vbroadcast v47, $0xA;
	v56 =	vld [tilespmem:s28+$0xEB00];
	v51 =	vadd.f32 v60, v44;
	v53 =	vmul.f32 v59, v14  }
0x1c9: {  	v48 =	vmul.f32 v58, v41;
	v59 =	vmul.f32 v54, v12;
	v54 =	vld [tilespmem:s28+$0xEE00];
	v46 =	vadd.f32 v46, v50  }
0x1ca: {  	v63 =	vmul.f32 v63, v42;
	v50 =	vld [tilespmem:s29+$0x13600];
	v51 =	vadd.f32 v53, v51  }
0x1cb: {  	v60 =	vmul.f32 v62, v11;
	v62 =	vld [tilespmem:s29+$0x13C00];
	v43 =	vbroadcast v47, $0xB;
	v46 =	vadd.f32 v48, v46  }
0x1cc: {  	v48 =	vld [tilespmem:s29+$0x13900];
	v51 =	vadd.f32 v59, v51  }
0x1cd: {  	v44 =	vbroadcast v47, $0xC;
	v58 =	vld [tilespmem:s28+$0xF100];
	v52 =	vmul.f32 v61, v43;
	v61 =	vadd.f32 v63, v46  }
0x1ce: {  	v55 =	vld [tilespmem:s29+$0x13F00];
	v45 =	vbroadcast v47, $0xD;
	v54 =	vmul.f32 v54, v8;
	v51 =	vadd.f32 v60, v51  }
0x1cf: {  	v63 =	vmul.f32 v56, v9;
	v50 =	vmul.f32 v50, v44;
	v52 =	vadd.f32 v52, v61  }
0x1d0: {  	v59 =	vld [tilespmem:s28+$0xF400];
	v46 =	vbroadcast v47, $0xE;
	v47 =	vbroadcast v47, $0xF  }
0x1d1: {  	v53 =	vld [tilespmem:s29+$0x14200];
	v51 =	vadd.f32 v63, v51;
	v56 =	vmul.f32 v48, v45;
	v52 =	vadd.f32 v50, v52  }
0x1d2: {  	v58 =	vmul.f32 v58, v4;
	v60 =	vmul.f32 v62, v46;
	v50 =	vld [tilespmem:s28+$0xF700]  }
0x1d3: {  	v55 =	vmul.f32 v55, v47;
	v57 =	vadd.f32 v54, v51;
	v54 =	vld [tilespmem:s29+$0x14500];
	v61 =	vadd.f32 v56, v52  }
0x1d4: {  	v48 =	vbroadcast v49, $0x0;
	v49 =	vbroadcast v49, $0x1;
	v51 =	vld [tilespmem:s28+$0xFA00]  }
0x1d5: {  	s30 =	simm.s32 $0x20;
	s0 =	simm.s32 $0xC0;
	v56 =	vadd.f32 v58, v57;
	v57 =	vmul.f32 v59, v1;
	v52 =	vld [tilespmem:s28+$0xFD00];
	v58 =	vadd.f32 v60, v61  }
.LBB2_5:
0x1d6: {  	p0 =	sne.s32 s0, $0xBC0;
	v59 =	vld [tilespmem:s30+$0xB200];
	v53 =	vmul.f32 v53, v48  }
0x1d7: {  	v56 =	vadd.f32 v57, v56;
	v50 =	vmul.f32 v50, v0;
	v57 =	vld [tilespmem:s28+$0x10000];
	v55 =	vadd.f32 v55, v58  }
0x1d8: {  	v58 =	vld [tilespmem:s30+$0xB500];
	v54 =	vmul.f32 v54, v49  }
0x1d9: {  	v50 =	vadd.f32 v50, v56;
	v51 =	vmul.f32 v51, v2;
	v56 =	vld [tilespmem:s28+$0x10300];
	v53 =	vadd.f32 v53, v55  }
0x1da: {  	v55 =	vld [tilespmem:s30+$0xB800];
	v52 =	vmul.f32 v52, v5  }
0x1db: {  	v59 =	vmul.f32 v59, v38;
	v50 =	vadd.f32 v51, v50;
	v51 =	vld [tilespmem:s28+$0x10600];
	v53 =	vadd.f32 v54, v53  }
0x1dc: {  	v54 =	vld [tilespmem:s30+$0xBB00];
	v57 =	vmul.f32 v57, v6  }
0x1dd: {  	v59 =	vadd.f32 $0.0e+00, v59;
	v58 =	vmul.f32 v58, v36;
	v50 =	vadd.f32 v52, v50;
	v52 =	vld [tilespmem:s28+$0x10900];
	[tilespmem:s29+$0x14B80] =	vst v53;
	s29 =	smov.u32 s28;
	s28 =	smov.u32 s30  }
0x1de: {  	v53 =	vld [tilespmem:s28+$0xBE00];
	v56 =	vmul.f32 v56, v3  }
0x1df: {  	v58 =	vadd.f32 v58, v59;
	v55 =	vmul.f32 v55, v34;
	v50 =	vadd.f32 v57, v50;
	v57 =	vld [tilespmem:s29+$0x10C00]  }
0x1e0: {  	v59 =	vld [tilespmem:s28+$0xC100];
	v51 =	vmul.f32 v51, v7  }
0x1e1: {  	v55 =	vadd.f32 v55, v58;
	v54 =	vmul.f32 v54, v33;
	v50 =	vadd.f32 v56, v50;
	v56 =	vld [tilespmem:s29+$0x10F00]  }
0x1e2: {  	v58 =	vld [tilespmem:s28+$0xC400];
	v52 =	vmul.f32 v52, v10  }
0x1e3: {  	v54 =	vadd.f32 v54, v55;
	v53 =	vmul.f32 v53, v31;
	v50 =	vadd.f32 v51, v50;
	v51 =	vld [tilespmem:s29+$0x11200]  }
0x1e4: {  	v55 =	vld [tilespmem:s28+$0xC700];
	v57 =	vmul.f32 v57, v13  }
0x1e5: {  	v53 =	vadd.f32 v53, v54;
	v54 =	vmul.f32 v59, v30;
	v50 =	vadd.f32 v52, v50;
	v52 =	vld [tilespmem:s29+$0x11500]  }
0x1e6: {  	v59 =	vld [tilespmem:s28+$0xCA00];
	v56 =	vmul.f32 v56, v17  }
0x1e7: {  	v53 =	vadd.f32 v54, v53;
	v54 =	vmul.f32 v58, v28;
	v50 =	vadd.f32 v57, v50;
	v57 =	vld [tilespmem:s29+$0x11800]  }
0x1e8: {  	v58 =	vld [tilespmem:s28+$0xCD00];
	v51 =	vmul.f32 v51, v20  }
0x1e9: {  	v53 =	vadd.f32 v54, v53;
	v54 =	vmul.f32 v55, v27;
	v50 =	vadd.f32 v56, v50;
	v55 =	vld [tilespmem:s29+$0x11B00]  }
0x1ea: {  	v56 =	vld [tilespmem:s28+$0xD000];
	v52 =	vmul.f32 v52, v23  }
0x1eb: {  	v53 =	vadd.f32 v54, v53;
	v54 =	vmul.f32 v59, v25;
	v50 =	vadd.f32 v51, v50;
	v51 =	vld [tilespmem:s29+$0x11E00]  }
0x1ec: {  	v59 =	vld [tilespmem:s28+$0xD300];
	v57 =	vmul.f32 v57, v26  }
0x1ed: {  	v53 =	vadd.f32 v54, v53;
	v54 =	vmul.f32 v58, v24;
	v50 =	vadd.f32 v52, v50;
	v52 =	vld [tilespmem:s29+$0x12100]  }
0x1ee: {  	v58 =	vld [tilespmem:s28+$0xD600];
	v55 =	vmul.f32 v55, v29  }
0x1ef: {  	v53 =	vadd.f32 v54, v53;
	v54 =	vmul.f32 v56, v22;
	v50 =	vadd.f32 v57, v50;
	v56 =	vld [tilespmem:s29+$0x12400]  }
0x1f0: {  	v57 =	vld [tilespmem:s28+$0xD900];
	v51 =	vmul.f32 v51, v32  }
0x1f1: {  	v53 =	vadd.f32 v54, v53;
	v54 =	vmul.f32 v59, v21;
	v50 =	vadd.f32 v55, v50;
	v55 =	vld [tilespmem:s29+$0x12700]  }
0x1f2: {  	v59 =	vld [tilespmem:s28+$0xDC00];
	v52 =	vmul.f32 v52, v35  }
0x1f3: {  	v53 =	vadd.f32 v54, v53;
	v54 =	vmul.f32 v58, v19;
	v50 =	vadd.f32 v51, v50;
	v51 =	vld [tilespmem:s29+$0x12A00]  }
0x1f4: {  	v58 =	vld [tilespmem:s28+$0xDF00];
	v56 =	vmul.f32 v56, v37  }
0x1f5: {  	v53 =	vadd.f32 v54, v53;
	v54 =	vmul.f32 v57, v18;
	v50 =	vadd.f32 v52, v50;
	v52 =	vld [tilespmem:s29+$0x12D00]  }
0x1f6: {  	v57 =	vld [tilespmem:s28+$0xE200];
	v55 =	vmul.f32 v55, v39  }
0x1f7: {  	v53 =	vadd.f32 v54, v53;
	v54 =	vmul.f32 v59, v16;
	v50 =	vadd.f32 v56, v50;
	v56 =	vld [tilespmem:s29+$0x13000]  }
0x1f8: {  	v59 =	vld [tilespmem:s28+$0xE500];
	v51 =	vmul.f32 v51, v40  }
0x1f9: {  	v53 =	vadd.f32 v54, v53;
	v54 =	vmul.f32 v58, v15;
	v50 =	vadd.f32 v55, v50;
	v55 =	vld [tilespmem:s29+$0x13300]  }
0x1fa: {  	v58 =	vld [tilespmem:s28+$0xE800];
	v52 =	vmul.f32 v52, v41  }
0x1fb: {  	v53 =	vadd.f32 v54, v53;
	v54 =	vmul.f32 v57, v14;
	v50 =	vadd.f32 v51, v50;
	v51 =	vld [tilespmem:s29+$0x13600]  }
0x1fc: {  	v57 =	vld [tilespmem:s28+$0xEB00];
	v56 =	vmul.f32 v56, v42  }
0x1fd: {  	v53 =	vadd.f32 v54, v53;
	v54 =	vmul.f32 v59, v12;
	v50 =	vadd.f32 v52, v50;
	v52 =	vld [tilespmem:s29+$0x13900]  }
0x1fe: {  	v59 =	vld [tilespmem:s28+$0xEE00];
	v55 =	vmul.f32 v55, v43  }
0x1ff: {  	v53 =	vadd.f32 v54, v53;
	v54 =	vmul.f32 v58, v11;
	v50 =	vadd.f32 v56, v50;
	v56 =	vld [tilespmem:s29+$0x13C00]  }
0x200: {  	v58 =	vld [tilespmem:s28+$0xF100];
	v51 =	vmul.f32 v51, v44  }
0x201: {  	v53 =	vadd.f32 v54, v53;
	v54 =	vmul.f32 v57, v9;
	v50 =	vadd.f32 v55, v50;
	v55 =	vld [tilespmem:s29+$0x13F00]  }
0x202: {  	v57 =	vld [tilespmem:s28+$0xF400];
	v52 =	vmul.f32 v52, v45  }
.Ltmp1:
0x203: {  	v54 =	vadd.f32 v54, v53;
	v59 =	vmul.f32 v59, v8;
	v51 =	vadd.f32 v51, v50;
	v53 =	vld [tilespmem:s29+$0x14200];
	(pc) =	sbr.rel @p0 .LBB2_5-.Ltmp1, $4  }
0x204: {  	v50 =	vld [tilespmem:s28+$0xF700];
	v60 =	vmul.f32 v56, v46  }
0x205: {  	v56 =	vadd.f32 v59, v54;
	v58 =	vmul.f32 v58, v4;
	v59 =	vadd.f32 v52, v51;
	v54 =	vld [tilespmem:s29+$0x14500]  }
0x206: {  	v51 =	vld [tilespmem:s28+$0xFA00];
	v55 =	vmul.f32 v55, v47  }
0x207: {  	s30 =	sshra.s32 s0, $0x2;
	s0 =	sadd.s32 $0x40, s0;
	v56 =	vadd.f32 v58, v56;
	v57 =	vmul.f32 v57, v1;
	v52 =	vld [tilespmem:s28+$0xFD00];
	v58 =	vadd.f32 v60, v59  }
0x208: {  	v59 =	vld [tilespmem:s30+$0xB200]  }
0x209: {  	v60 =	vld [tilespmem:s28+$0x10000];
	v53 =	vmul.f32 v53, v48;
	v55 =	vadd.f32 v55, v58  }
0x20a: {  	v62 =	vld [tilespmem:s30+$0xB500];
	v56 =	vadd.f32 v57, v56;
	v50 =	vmul.f32 v50, v0  }
0x20b: {  	v63 =	vld [tilespmem:s30+$0xB800];
	v54 =	vmul.f32 v54, v49;
	v53 =	vadd.f32 v53, v55  }
0x20c: {  	v57 =	vld [tilespmem:s28+$0x10300];
	v50 =	vadd.f32 v50, v56  }
0x20d: {  	v51 =	vmul.f32 v51, v2;
	v56 =	vld [tilespmem:s28+$0x10600];
	v38 =	vmul.f32 v59, v38;
	v53 =	vadd.f32 v54, v53  }
0x20e: {  	v52 =	vmul.f32 v52, v5;
	v54 =	vld [tilespmem:s30+$0xBB00]  }
0x20f: {  	v50 =	vadd.f32 v51, v50;
	v51 =	vld [tilespmem:s28+$0x10900];
	v36 =	vmul.f32 v62, v36;
	v38 =	vadd.f32 $0.0e+00, v38;
	[tilespmem:s29+$0x14B80] =	vst v53  }
0x210: {  	v61 =	vmul.f32 v60, v6;
	v62 =	vld [tilespmem:s30+$0xBE00]  }
0x211: {  	v34 =	vmul.f32 v63, v34;
	v50 =	vadd.f32 v52, v50;
	v36 =	vadd.f32 v36, v38  }
0x212: {  	v63 =	vmul.f32 v57, v3;
	v52 =	vld [tilespmem:s30+$0xC100]  }
0x213: {  	v57 =	vld [tilespmem:s28+$0x10C00];
	v50 =	vadd.f32 v61, v50;
	v33 =	vmul.f32 v54, v33;
	v34 =	vadd.f32 v34, v36  }
0x214: {  	v59 =	vmul.f32 v56, v7;
	v60 =	vld [tilespmem:s30+$0xC400]  }
0x215: {  	v61 =	vld [tilespmem:s28+$0x10F00];
	v38 =	vadd.f32 v63, v50;
	v33 =	vadd.f32 v33, v34;
	v31 =	vmul.f32 v62, v31  }
0x216: {  	v63 =	vld [tilespmem:s30+$0xC700];
	v62 =	vmul.f32 v51, v10  }
0x217: {  	v58 =	vld [tilespmem:s30+$0xCA00];
	v36 =	vadd.f32 v59, v38;
	v30 =	vmul.f32 v52, v30;
	v31 =	vadd.f32 v31, v33  }
0x218: {  	v56 =	vld [tilespmem:s28+$0x11200];
	v57 =	vmul.f32 v57, v13  }
0x219: {  	v59 =	vld [tilespmem:s28+$0x11500];
	v28 =	vmul.f32 v60, v28;
	v34 =	vadd.f32 v62, v36;
	v30 =	vadd.f32 v30, v31  }
0x21a: {  	v60 =	vmul.f32 v61, v17;
	v61 =	vld [tilespmem:s30+$0xCD00]  }
0x21b: {  	v51 =	vld [tilespmem:s30+$0xD000];
	v27 =	vmul.f32 v63, v27;
	v33 =	vadd.f32 v57, v34;
	v28 =	vadd.f32 v28, v30  }
0x21c: {  	v25 =	vmul.f32 v58, v25;
	v62 =	vld [tilespmem:s28+$0x11800]  }
0x21d: {  	v55 =	vld [tilespmem:s30+$0xD300];
	v63 =	vmul.f32 v56, v20;
	v31 =	vadd.f32 v60, v33;
	v27 =	vadd.f32 v27, v28  }
0x21e: {  	v53 =	vld [tilespmem:s28+$0x11B00];
	v54 =	vmul.f32 v59, v23  }
0x21f: {  	v58 =	vld [tilespmem:s30+$0xD600];
	v24 =	vmul.f32 v61, v24;
	v30 =	vadd.f32 v63, v31;
	v25 =	vadd.f32 v25, v27  }
0x220: {  	v56 =	vld [tilespmem:s28+$0x11E00];
	v22 =	vmul.f32 v51, v22  }
0x221: {  	v59 =	vld [tilespmem:s28+$0x12100];
	v57 =	vmul.f32 v62, v26;
	v28 =	vadd.f32 v54, v30;
	v24 =	vadd.f32 v24, v25  }
0x222: {  	v21 =	vmul.f32 v55, v21;
	v61 =	vld [tilespmem:s30+$0xD900]  }
0x223: {  	v36 =	vld [tilespmem:s30+$0xDC00];
	v60 =	vmul.f32 v53, v29;
	v27 =	vadd.f32 v57, v28;
	v22 =	vadd.f32 v22, v24  }
0x224: {  	v19 =	vmul.f32 v58, v19;
	v62 =	vld [tilespmem:s28+$0x12400]  }
0x225: {  	v38 =	vld [tilespmem:s28+$0x12700];
	v63 =	vmul.f32 v56, v32;
	v25 =	vadd.f32 v60, v27;
	v21 =	vadd.f32 v21, v22  }
0x226: {  	v51 =	vld [tilespmem:s30+$0xDF00];
	v50 =	vmul.f32 v59, v35  }
0x227: {  	v52 =	vld [tilespmem:s28+$0x12A00];
	v18 =	vmul.f32 v61, v18;
	v24 =	vadd.f32 v63, v25;
	v19 =	vadd.f32 v19, v21  }
0x228: {  	v16 =	vmul.f32 v36, v16;
	v54 =	vld [tilespmem:s30+$0xE200]  }
0x229: {  	v55 =	vld [tilespmem:s28+$0x12D00];
	v53 =	vmul.f32 v62, v37;
	v22 =	vadd.f32 v50, v24;
	v18 =	vadd.f32 v18, v19  }
0x22a: {  	v56 =	vmul.f32 v38, v39;
	v57 =	vld [tilespmem:s30+$0xE500]  }
0x22b: {  	v58 =	vld [tilespmem:s28+$0x13000];
	v15 =	vmul.f32 v51, v15;
	v21 =	vadd.f32 v53, v22;
	v16 =	vadd.f32 v16, v18  }
0x22c: {  	v59 =	vmul.f32 v52, v40;
	v60 =	vld [tilespmem:s30+$0xE800]  }
0x22d: {  	v61 =	vld [tilespmem:s28+$0x13300];
	v14 =	vmul.f32 v54, v14;
	v19 =	vadd.f32 v56, v21;
	v15 =	vadd.f32 v15, v16  }
0x22e: {  	v62 =	vmul.f32 v55, v41;
	v63 =	vld [tilespmem:s30+$0xEB00]  }
0x22f: {  	v31 =	vld [tilespmem:s30+$0xEE00];
	v12 =	vmul.f32 v57, v12;
	v18 =	vadd.f32 v59, v19;
	v14 =	vadd.f32 v14, v15  }
0x230: {  	v30 =	vmul.f32 v58, v42;
	v28 =	vld [tilespmem:s28+$0x13600]  }
0x231: {  	v36 =	vld [tilespmem:s30+$0xF100];
	v11 =	vmul.f32 v60, v11;
	v16 =	vadd.f32 v62, v18;
	v12 =	vadd.f32 v12, v14  }
0x232: {  	v33 =	vld [tilespmem:s28+$0x13900];
	v34 =	vmul.f32 v61, v43  }
0x233: {  	v51 =	vld [tilespmem:s30+$0xF400];
	v9 =	vmul.f32 v63, v9;
	v15 =	vadd.f32 v30, v16;
	v11 =	vadd.f32 v11, v12  }
0x234: {  	v38 =	vld [tilespmem:s28+$0x13C00];
	v8 =	vmul.f32 v31, v8  }
0x235: {  	v54 =	vld [tilespmem:s30+$0xF700];
	v50 =	vmul.f32 v28, v44;
	v14 =	vadd.f32 v34, v15;
	v9 =	vadd.f32 v9, v11  }
0x236: {  	v52 =	vld [tilespmem:s28+$0x13F00];
	v4 =	vmul.f32 v36, v4  }
0x237: {  	v55 =	vld [tilespmem:s28+$0x14200];
	v53 =	vmul.f32 v33, v45;
	v12 =	vadd.f32 v50, v14;
	v8 =	vadd.f32 v8, v9  }
0x238: {  	v1 =	vmul.f32 v51, v1;
	v57 =	vld [tilespmem:s30+$0xFA00]  }
0x239: {  	v60 =	vld [tilespmem:s30+$0xFD00];
	v56 =	vmul.f32 v38, v46;
	v11 =	vadd.f32 v53, v12;
	v4 =	vadd.f32 v4, v8  }
0x23a: {  	v58 =	vld [tilespmem:s28+$0x14500];
	v61 =	vmul.f32 v54, v0  }
0x23b: {  	v59 =	vmul.f32 v52, v47;
	v9 =	vadd.f32 v56, v11;
	v1 =	vadd.f32 v1, v4  }
0x23c: {  	v63 =	vld [tilespmem:s30+$0x10000];
	v62 =	vmul.f32 v55, v48  }
0x23d: {  	v14 =	vmul.f32 v57, v2;
	v8 =	vadd.f32 v59, v9;
	v0 =	vadd.f32 v61, v1  }
0x23e: {  	v19 =	vmul.f32 v60, v5;
	v18 =	vld [tilespmem:s30+$0x10300]  }
0x23f: {  	v16 =	vmul.f32 v58, v49;
	v4 =	vadd.f32 v62, v8;
	v0 =	vadd.f32 v14, v0  }
0x240: {  	v21 =	vld [tilespmem:s30+$0x10600]  }
0x241: {  	v22 =	vmul.f32 v63, v6;
	v2 =	vadd.f32 v16, v4;
	v0 =	vadd.f32 v19, v0  }
0x242: {  	v24 =	vld [tilespmem:s30+$0x10900]  }
0x243: {  	v25 =	vmul.f32 v18, v3;
	[tilespmem:s28+$0x14B80] =	vst v2;
	v0 =	vadd.f32 v22, v0  }
0x244: {  	v27 =	vld [tilespmem:s30+$0x10C00]  }
0x245: {  	v1 =	vmul.f32 v21, v7;
	v0 =	vadd.f32 v25, v0  }
0x246: {  	v28 =	vld [tilespmem:s30+$0x10F00]  }
0x247: {  	v30 =	vmul.f32 v24, v10;
	v0 =	vadd.f32 v1, v0  }
0x248: {  	v31 =	vld [tilespmem:s30+$0x11200]  }
0x249: {  	v3 =	vmul.f32 v27, v13;
	v0 =	vadd.f32 v30, v0  }
0x24a: {  	v33 =	vld [tilespmem:s30+$0x11500]  }
0x24b: {  	v2 =	vmul.f32 v28, v17;
	v0 =	vadd.f32 v3, v0  }
0x24c: {  	v34 =	vld [tilespmem:s30+$0x11800]  }
0x24d: {  	v1 =	vmul.f32 v31, v20;
	v0 =	vadd.f32 v2, v0  }
0x24e: {  	v36 =	vld [tilespmem:s30+$0x11B00]  }
0x24f: {  	v4 =	vmul.f32 v33, v23;
	v0 =	vadd.f32 v1, v0  }
0x250: {  	v38 =	vld [tilespmem:s30+$0x11E00]  }
0x251: {  	v3 =	vmul.f32 v34, v26;
	v0 =	vadd.f32 v4, v0  }
0x252: {  	v50 =	vld [tilespmem:s30+$0x12100]  }
0x253: {  	v2 =	vmul.f32 v36, v29;
	v0 =	vadd.f32 v3, v0  }
0x254: {  	v51 =	vld [tilespmem:s30+$0x12400]  }
0x255: {  	v1 =	vmul.f32 v38, v32;
	v0 =	vadd.f32 v2, v0  }
0x256: {  	v52 =	vld [tilespmem:s30+$0x12700]  }
0x257: {  	v4 =	vmul.f32 v50, v35;
	v0 =	vadd.f32 v1, v0  }
0x258: {  	v53 =	vld [tilespmem:s30+$0x12A00]  }
0x259: {  	v3 =	vmul.f32 v51, v37;
	v0 =	vadd.f32 v4, v0  }
0x25a: {  	v54 =	vld [tilespmem:s30+$0x12D00]  }
0x25b: {  	v2 =	vmul.f32 v52, v39;
	v0 =	vadd.f32 v3, v0  }
0x25c: {  	v55 =	vld [tilespmem:s30+$0x13000]  }
0x25d: {  	v1 =	vmul.f32 v53, v40;
	v0 =	vadd.f32 v2, v0  }
0x25e: {  	v56 =	vld [tilespmem:s30+$0x13300]  }
0x25f: {  	v4 =	vmul.f32 v54, v41;
	v0 =	vadd.f32 v1, v0  }
0x260: {  	v57 =	vld [tilespmem:s30+$0x13600]  }
0x261: {  	v3 =	vmul.f32 v55, v42;
	v0 =	vadd.f32 v4, v0  }
0x262: {  	v58 =	vld [tilespmem:s30+$0x13900]  }
0x263: {  	v2 =	vmul.f32 v56, v43;
	v0 =	vadd.f32 v3, v0  }
0x264: {  	v59 =	vld [tilespmem:s30+$0x13C00]  }
0x265: {  	v1 =	vmul.f32 v57, v44;
	v0 =	vadd.f32 v2, v0  }
0x266: {  	v60 =	vld [tilespmem:s30+$0x13F00]  }
0x267: {  	v4 =	vmul.f32 v58, v45;
	v0 =	vadd.f32 v1, v0  }
0x268: {  	v61 =	vld [tilespmem:s30+$0x14200]  }
0x269: {  	v3 =	vmul.f32 v59, v46;
	v0 =	vadd.f32 v4, v0  }
0x26a: {  	v62 =	vld [tilespmem:s30+$0x14500]  }
0x26b: {  	v2 =	vmul.f32 v60, v47;
	v0 =	vadd.f32 v3, v0;
	_ =	sdelay $0x1  }
0x26c: {  	v1 =	vmul.f32 v61, v48;
	v0 =	vadd.f32 v2, v0  }
0x26d: {  	s25 =	sadd.s32 $0x1, s25  }
0x26e: {  	p0 =	sne.s32 s25, $0x40;
	v63 =	vmul.f32 v62, v49;
	v0 =	vadd.f32 v1, v0  }
.Ltmp2:
0x26f: {  	s0 =	sadd.s32 s6, s26;
	(pc) =	sbr.rel @p0 .LBB2_2-.Ltmp2, $3  }
0x270: {  	s0 =	smul.u32 $0x60, s0;
	v0 =	vadd.f32 v63, v0;
	_ =	sdelay $0x1  }
0x271: {  	s0 =	sadd.s32 s5, s0;
	[tilespmem:s30+$0x14B80] =	vst v0  }
0x272: {  	[hbm4b:s0+s3] =	stream.linear.scatter [tilespmem:s21], [sflag:$0x6], $0x300, $0x38;
	[tilespmem:$0x14E80] =	vst v63  }
0x273: {  	s24 =	sadd.s32 $0x1, s24  }
0x274: {  	_ =	swait.ge [sflag:s22], $0x300;
	p0 =	sne.s32 s24, s8  }
.Ltmp3:
0x275: {  	[sflag:s22] =	ssyncset.done $0x0;
	(pc) =	sbr.rel @p0 .LBB2_1-.Ltmp3, $4  }
0x276: {  	[sflag:s22] =	ssyncadd.s32 $0xFFFFFD00  }
0x277: {  	_ =	swait.ge [sflag:s23], $0x300  }
0x278: {  	[sflag:s23] =	ssyncset.done $0x0  }
0x279: {  	[sflag:s23] =	ssyncadd.s32 $0xFFFFFD00  }
0x27a: {  	_ =	sfence.sel $0x180000  }
0x27b: {  	[bflag:$0x0] =	sbarrier.arrive $0xFFFF  }
0x27c: {  	_ =	strace $0x90000047  }
0x27d: {  	[bflag:$0x2] =	sbarrier.arrive $0xFFFF  }
0x27e: {  	p0 =	sne.s32 s1, $0x0;
	s0 =	rddreg [dreg:$0x3]  }
0x27f: {  	s0 =	sadd.s32 @!p0 $0x100000, s0  }
0x280: {  	[sflag:s0] =	ssyncadd.tile.s32 @!p0 $0x1;
	_ =	shalt  }
.Lfunc_end2:
_tile_overlayer_lowered:
.L_overlay_start_2:
0x281: {  	(tag) =	ssettag $0x2  }
0x282: {  	s0 =	rddreg [dreg:$0x0];
	s2 =	stileid.u32  }
0x283: {  	s1 =	rddreg [dreg:$0x1];
	p0 =	sne.s32 s2, $0x0  }
0x284: {  	s3 =	rddreg [dreg:$0x2];
	[bflag:$0x3] =	sbarrier.arrive $0xFFFF;
	s2 =	simm.s32 @!p0 $0x1C07  }
0x285: {  	[timem:s3], [sflag:s2] =	dma.local @!p0 [hbm:s0], s1  }
0x286: {  	s0 =	simm.s32 @!p0 $0x7  }
0x287: {  	_ =	swait.ge @!p0 [sflag:s0], s1  }
0x288: {  	s1 =	ssub.s32 @!p0 $0x0, s1;
	[sflag:s0] =	ssyncset.done @!p0 $0x0  }
0x289: {  	[sflag:s0] =	ssyncadd.s32 @!p0 s1  }
0x28a: {  	[bflag:$0x3] =	sbarrier.arrive $0xFFFF  }
0x28b: {  	_ =	shalt  }

</sc_bundles>
